<compile_context>
chip_gen: v7x
topology: tpu7x:2x2x1
jax: 0.10.2.dev20260603
libtpu: 0.0.44.dev20260713+nightly
codegen_flags: <defaults>
</compile_context>

<pallas_src>
import jax
import jax.numpy as jnp
import numpy as np
from jax import lax
from jax.experimental import pallas as pl
from jax.experimental.pallas import tpu as pltpu
from jax.experimental.pallas import tpu_sc as plsc

_N_NODES = 10000
_D = 128
_N_POS = 320000
_N_NEG = 320000
_E = _N_POS + _N_NEG
_PROB = _N_POS / (_N_NODES**2 - _N_NODES) * 2
_EPS = float(-np.log(1.0 - _PROB))

_NC = 2
_NS = 16
_FPT = _D // _NS
_CH = 4096
_NCH = 80
_EPC = _CH * _NCH
_CROWS = _CH // _D
_SROWS = _NCH * _CROWS
_WB = _SROWS // _NS
_LANES = 16
_VBITS = 14


def _sc_scores_kernel(ht_hbm, pk_hbm, out_hbm,
                      tsl, pk0, pk1, s0, s1, io, shsc,
                      isem0, isem1, ssem0, ssem1):
    sid = lax.axis_index("s")
    cid = lax.axis_index("c")

    pltpu.sync_copy(ht_hbm.at[pl.ds(sid * _N_NODES * _FPT, _N_NODES * _FPT)],
                    tsl)

    def io_body(j, carry):
        for k in range(_CROWS // _LANES):
            io[j, pl.ds(k * _LANES, _LANES)] = (
                lax.iota(jnp.int32, _LANES) + j * _CROWS + k * _LANES)
        return carry
    lax.fori_loop(0, _NCH, io_body, 0)

    def store_block(scb, g, val):
        scb[g // (_D // _LANES),
            pl.ds((g % (_D // _LANES)) * _LANES, _LANES)] = val

    def z_body(g, carry):
        store_block(s0, g, jnp.zeros((_LANES,), jnp.float32))
        return carry
    lax.fori_loop(0, _CH // _LANES, z_body, 0)
    for k in range(_WB // _CROWS):
        pltpu.sync_copy(s0, shsc.at[pl.ds(sid * _WB + k * _CROWS, _CROWS)])
    plsc.subcore_barrier()

    def issue_idx(chunk, pkb, isem):
        off = cid * _EPC + chunk * _CH
        pltpu.async_copy(pk_hbm.at[pl.ds(off, _CH)], pkb, isem)

    def wait_idx(pkb, isem):
        pltpu.make_async_copy(pk_hbm.at[pl.ds(0, _CH)], pkb, isem).wait()

    def wait_sadd(scb, ssem):
        pltpu.make_async_copy(scb, shsc.at[io.at[0]], ssem).wait()

    issue_idx(0, pk0, isem0)
    issue_idx(1, pk1, isem1)

    def compute(pkb, scb):
        @plsc.parallel_loop(0, _CH // _LANES, 1, unroll=3)
        def g_body(g):
            pk16 = pkb[pl.ds(g * _LANES, _LANES)]
            uvec = lax.shift_right_logical(pk16, _VBITS)
            vvec = lax.bitwise_and(pk16, (1 << _VBITS) - 1)
            acc = jnp.zeros((_LANES,), jnp.float32)
            for f in range(_FPT):
                sub = tsl.at[pl.ds(f * _N_NODES, _N_NODES)]
                acc = acc + (plsc.load_gather(sub, [uvec])
                             * plsc.load_gather(sub, [vvec]))
            store_block(scb, g, acc)

    bufs = ((pk0, s0, isem0, ssem0), (pk1, s1, isem1, ssem1))

    def j_body(jj, carry):
        for b in range(2):
            j = jj * 2 + b
            pkb, scb, isem, ssem = bufs[b]
            wait_idx(pkb, isem)

            @pl.when(j >= 2)
            def _():
                wait_sadd(scb, ssem)

            compute(pkb, scb)
            pltpu.async_copy(scb, shsc.at[io.at[j]], ssem, add=True)

            @pl.when(j + 2 < _NCH)
            def _():
                issue_idx(j + 2, pkb, isem)
        return carry

    lax.fori_loop(0, _NCH // 2, j_body, 0)

    wait_sadd(s0, ssem0)
    wait_sadd(s1, ssem1)
    plsc.subcore_barrier()

    pltpu.sync_copy(shsc.at[pl.ds(sid * _WB, _WB)],
                    out_hbm.at[cid, pl.ds(sid * _WB, _WB)])


@jax.jit
def _sc_scores(ht, pk):
    mesh = plsc.VectorSubcoreMesh(core_axis_name="c", subcore_axis_name="s")
    return pl.kernel(
        _sc_scores_kernel,
        out_type=jax.ShapeDtypeStruct((_NC, _SROWS, _D), jnp.float32),
        mesh=mesh,
        compiler_params=pltpu.CompilerParams(needs_layout_passes=False),
        scratch_types=[
            pltpu.VMEM((_N_NODES * _FPT,), jnp.float32),
            pltpu.VMEM((_CH,), jnp.int32),
            pltpu.VMEM((_CH,), jnp.int32),
            pltpu.VMEM((_CROWS, _D), jnp.float32),
            pltpu.VMEM((_CROWS, _D), jnp.float32),
            pltpu.VMEM((_NCH, _CROWS), jnp.int32),
            pltpu.VMEM_SHARED((_SROWS, _D), jnp.float32),
            pltpu.SemaphoreType.DMA,
            pltpu.SemaphoreType.DMA,
            pltpu.SemaphoreType.DMA,
            pltpu.SemaphoreType.DMA,
        ],
    )(ht, pk)


def _loss_body(s_ref, o_ref):
    s = s_ref[...]
    pos = s[: _N_POS // _D, :]
    neg = s[_N_POS // _D:, :]
    t = jnp.exp(-pos - _EPS)
    loss_edges = jnp.mean(jnp.log(1.0 + t))
    loss_nonedges = jnp.mean(neg)
    o_ref[...] = jnp.reshape(loss_edges + loss_nonedges, (1, 1))


@jax.jit
def _tc_loss(scores2d):
    out = pl.pallas_call(
        _loss_body,
        out_shape=jax.ShapeDtypeStruct((1, 1), jnp.float32),
    )(scores2d)
    return out[0, 0]


def kernel(block_outputs, pos_edge_index, neg_edge_index):
    u = jnp.concatenate([pos_edge_index[0], neg_edge_index[0]])
    v = jnp.concatenate([pos_edge_index[1], neg_edge_index[1]])
    pk = u * (1 << _VBITS) + v
    pad = jnp.zeros((_EPC - _E // _NC,), jnp.int32)
    pkp = jnp.concatenate([pk[: _E // _NC], pad, pk[_E // _NC:], pad])
    ht = block_outputs.T.reshape(_NS * _N_NODES * _FPT)
    scores = _sc_scores(ht, pkp)
    real = scores[:, : (_E // _NC) // _D, :].reshape(_E // _D, _D)
    return _tc_loss(real)

# --- scband reference (transcript-rebuilt; emitter-appended) ---
"""Pipeline reference for scband-sigmoid-loss-53704271069551 (READ-ONLY COPY).

The authoritative reference and input builder live on the scoring server;
editing this copy changes nothing except your own understanding.
"""

import jax, jax.numpy as jnp
import numpy as np

N_NODES = 10000
D_FEAT = 128
N_POS = 320000
N_NEG = 320000
# SigmoidLoss.__init__: prob = g.num_edges()/(g.num_nodes()**2 - g.num_nodes())*2; eps = -log(1-prob)
_PROB = N_POS / (N_NODES ** 2 - N_NODES) * 2
EPS = float(-np.log(1.0 - _PROB))
BALANCE = True


def setup_inputs(seed: int = 0) -> dict:
    key = jax.random.key(seed)
    k1, k2, k3 = jax.random.split(key, 3)
    block_outputs = jax.random.normal(k1, (N_NODES, D_FEAT), dtype=jnp.float32)
    pos_edge_index = jax.random.randint(k2, (2, N_POS), 0, N_NODES, dtype=jnp.int32)
    neg_edge_index = jax.random.randint(k3, (2, N_NEG), 0, N_NODES, dtype=jnp.int32)
    return {
        "block_outputs": block_outputs,
        "pos_edge_index": pos_edge_index,
        "neg_edge_index": neg_edge_index,
    }


def reference(block_outputs, pos_edge_index, neg_edge_index):
    # pos_graph.apply_edges(fn.u_dot_v('h','h','score'))
    pos_u = jnp.take(block_outputs, pos_edge_index[0], axis=0)
    pos_v = jnp.take(block_outputs, pos_edge_index[1], axis=0)
    pos_score = jnp.sum(pos_u * pos_v, axis=-1)
    # neg_graph.apply_edges(fn.u_dot_v('h','h','score'))
    neg_u = jnp.take(block_outputs, neg_edge_index[0], axis=0)
    neg_v = jnp.take(block_outputs, neg_edge_index[1], axis=0)
    neg_score = jnp.sum(neg_u * neg_v, axis=-1)

    ratio = N_NEG / N_POS
    loss_edges = -jnp.mean(jnp.log(jnp.power(1.0 + jnp.exp(-pos_score - EPS), -1.0)))
    loss_nonedges = jnp.mean(neg_score)
    if BALANCE:
        loss = loss_edges + loss_nonedges
    else:
        loss = loss_edges + loss_nonedges * ratio
    return loss

if __name__ == "__main__":
    import jax
    _d = setup_inputs()
    print(jax.jit(kernel)(*tuple(_d.values())))

</pallas_src>

<mosaic_0001>
#map = affine_map<(d0, d1) -> (0)>
#map1 = affine_map<(d0, d1) -> (0, 0, 0)>
module attributes {stable_mosaic.version = 14 : i64} {
  func.func @_sc_scores_kernel(%arg0: i32, %arg1: i32, %arg2: memref<1280000xf32, #tpu.memory_space<hbm>>, %arg3: memref<655360xi32, #tpu.memory_space<hbm>>, %arg4: memref<2x2560x128xf32, #tpu.memory_space<hbm>>, %arg5: memref<80000xf32, #tpu.memory_space<vmem>>, %arg6: memref<4096xi32, #tpu.memory_space<vmem>>, %arg7: memref<4096xi32, #tpu.memory_space<vmem>>, %arg8: memref<32x128xf32, #tpu.memory_space<vmem>>, %arg9: memref<32x128xf32, #tpu.memory_space<vmem>>, %arg10: memref<80x32xi32, #tpu.memory_space<vmem>>, %arg11: memref<2560x128xf32, #tpu.memory_space<vmem_shared>>, %arg12: memref<!tpu.dma_semaphore, #tpu.memory_space<semaphore_mem>>, %arg13: memref<!tpu.dma_semaphore, #tpu.memory_space<semaphore_mem>>, %arg14: memref<!tpu.dma_semaphore, #tpu.memory_space<semaphore_mem>>, %arg15: memref<!tpu.dma_semaphore, #tpu.memory_space<semaphore_mem>>) attributes {dimension_semantics = [#tpu.dimension_semantics<core_parallel>, #tpu.dimension_semantics<subcore_parallel>], iteration_bounds = array<i64: 2, 16>, scalar_prefetch = 0 : i64, scratch_operands = 11 : i64, tpu.core_type = #tpu.core_type<sc_vector_subcore>, window_params = [{transform_indices = #map}, {transform_indices = #map}, {transform_indices = #map1}]} {
    %mul3A = arith.constant 10000 : i32
    %mul3A_0 = arith.muli %arg1, %mul3A : i32
    %mul3A_1 = arith.constant 8 : i32
    %mul3A_2 = arith.muli %mul3A_0, %mul3A_1 : i32
    "tpu.region"() ({
      %run_scoped3A = tpu.sem_alloc : memref<!tpu.dma_semaphore, #tpu.memory_space<semaphore_mem>>
      %dma_start3A_68 = tpu.memref_slice %arg2[%mul3A_2] : memref<1280000xf32, #tpu.memory_space<hbm>> -> memref<80000xf32, #tpu.memory_space<hbm>>
      %dma_start3A_69 = tpu.memref_slice %arg2[%mul3A_2] : memref<1280000xf32, #tpu.memory_space<hbm>> -> memref<80000xf32, #tpu.memory_space<hbm>>
      tpu.enqueue_dma source(%dma_start3A_69 : memref<80000xf32, #tpu.memory_space<hbm>>) target(%arg5 : memref<80000xf32, #tpu.memory_space<vmem>>) target_semaphore(%run_scoped3A : memref<!tpu.dma_semaphore, #tpu.memory_space<semaphore_mem>>)
      %dma_wait3A_70 = tpu.memref_slice %arg2[%mul3A_2] : memref<1280000xf32, #tpu.memory_space<hbm>> -> memref<80000xf32, #tpu.memory_space<hbm>>
      %dma_wait3A_71 = tpu.memref_slice %arg2[%mul3A_2] : memref<1280000xf32, #tpu.memory_space<hbm>> -> memref<80000xf32, #tpu.memory_space<hbm>>
      tpu.wait_dma2 semaphore(%run_scoped3A : memref<!tpu.dma_semaphore, #tpu.memory_space<semaphore_mem>>) src(%dma_wait3A_71 : memref<80000xf32, #tpu.memory_space<hbm>>) dst(%arg5 : memref<80000xf32, #tpu.memory_space<vmem>>)
      tpu.yield
    }) : () -> ()
    %scan3A = arith.constant 0 : i32
    %scan3A_3 = arith.constant 0 : i32
    %scan3A_4 = arith.constant 80 : i32
    %scan3A_5 = arith.addi %scan3A_3, %scan3A_4 : i32
    %scan3A_6 = arith.constant 1 : i32
    scf.for %scan3A_68 = %scan3A_3 to %scan3A_5 step %scan3A_6  : i32 {
      %iota3A = tpu.iota {dimensions = array<i32: 0>} : vector<16xi32>
      %mul3A_69 = arith.constant 32 : i32
      %mul3A_70 = arith.muli %scan3A_68, %mul3A_69 : i32
      %add3A_71 = vector.broadcast %mul3A_70 : i32 to vector<16xi32>
      %add3A_72 = arith.addi %iota3A, %add3A_71 : vector<16xi32>
      %add3A_73 = arith.constant 0 : i32
      %add3A_74 = vector.broadcast %add3A_73 : i32 to vector<16xi32>
      %add3A_75 = arith.addi %add3A_72, %add3A_74 : vector<16xi32>
      %swap3A = arith.index_cast %scan3A_68 : i32 to index
      %swap3A_76 = arith.constant 0 : index
      %swap3A_77 = tpu.vector_load %arg10[%swap3A, %swap3A_76] {strides = array<i32>} : memref<80x32xi32, #tpu.memory_space<vmem>>, vector<16xi32>,
      tpu.vector_store %arg10[%swap3A, %swap3A_76], %add3A_75 {strides = array<i32>} : memref<80x32xi32, #tpu.memory_space<vmem>>, vector<16xi32>,
      %iota3A_78 = tpu.iota {dimensions = array<i32: 0>} : vector<16xi32>
      %mul3A_79 = arith.constant 32 : i32
      %mul3A_80 = arith.muli %scan3A_68, %mul3A_79 : i32
      %add3A_81 = vector.broadcast %mul3A_80 : i32 to vector<16xi32>
      %add3A_82 = arith.addi %iota3A_78, %add3A_81 : vector<16xi32>
      %add3A_83 = arith.constant 16 : i32
      %add3A_84 = vector.broadcast %add3A_83 : i32 to vector<16xi32>
      %add3A_85 = arith.addi %add3A_82, %add3A_84 : vector<16xi32>
      %swap3A_86 = arith.index_cast %scan3A_68 : i32 to index
      %swap3A_87 = arith.constant 16 : index
      %swap3A_88 = tpu.vector_load %arg10[%swap3A_86, %swap3A_87] {strides = array<i32>} : memref<80x32xi32, #tpu.memory_space<vmem>>, vector<16xi32>,
      tpu.vector_store %arg10[%swap3A_86, %swap3A_87], %add3A_85 {strides = array<i32>} : memref<80x32xi32, #tpu.memory_space<vmem>>, vector<16xi32>,
    }
    %scan3A_7 = arith.constant 80 : i32
    %scan3A_8 = arith.constant 0 : i32
    %scan3A_9 = arith.constant 0 : i32
    %scan3A_10 = arith.constant 256 : i32
    %scan3A_11 = arith.addi %scan3A_9, %scan3A_10 : i32
    %scan3A_12 = arith.constant 1 : i32
    scf.for %scan3A_68 = %scan3A_9 to %scan3A_11 step %scan3A_12  : i32 {
      %broadcast_in_dim3A = arith.constant 0.000000e+00 : f32
      %broadcast_in_dim3A_69 = vector.broadcast %broadcast_in_dim3A : f32 to vector<16xf32>
      %jit3A = arith.constant 8 : i32
      %div3A = arith.divsi %scan3A_68, %jit3A : i32
      %sign3A = arith.constant 0 : i32
      %sign3A_70 = arith.cmpi sgt, %scan3A_68, %sign3A : i32
      %sign3A_71 = arith.extui %sign3A_70 : i1 to i32
      %sign3A_72 = arith.constant 0 : i32
      %sign3A_73 = arith.cmpi slt, %scan3A_68, %sign3A_72 : i32
      %sign3A_74 = arith.extui %sign3A_73 : i1 to i32
      %sign3A_75 = arith.subi %sign3A_71, %sign3A_74 : i32
      %sign3A_76 = arith.constant 0 : i32
      %sign3A_77 = arith.cmpi sgt, %jit3A, %sign3A_76 : i32
      %sign3A_78 = arith.extui %sign3A_77 : i1 to i32
      %sign3A_79 = arith.constant 0 : i32
      %sign3A_80 = arith.cmpi slt, %jit3A, %sign3A_79 : i32
      %sign3A_81 = arith.extui %sign3A_80 : i1 to i32
      %sign3A_82 = arith.subi %sign3A_78, %sign3A_81 : i32
      %ne3A = arith.cmpi ne, %sign3A_75, %sign3A_82 : i32
      %rem3A = arith.remsi %scan3A_68, %jit3A : i32
      %ne3A_83 = arith.constant 0 : i32
      %ne3A_84 = arith.cmpi ne, %rem3A, %ne3A_83 : i32
      %and3A = arith.andi %ne3A, %ne3A_84 : i1
      %sub3A = arith.constant 1 : i32
      %sub3A_85 = arith.subi %div3A, %sub3A : i32
      %select_n3A = arith.select %and3A, %sub3A_85, %div3A : i32
      %jit3A_86 = arith.constant 8 : i32
      %eq3A = arith.constant 0 : i32
      %eq3A_87 = arith.cmpi eq, %jit3A_86, %eq3A : i32
      %jit3A_88 = arith.constant 1 : i32
      %select_n3A_89 = arith.select %eq3A_87, %jit3A_88, %jit3A_86 : i32
      %rem3A_90 = arith.remsi %scan3A_68, %select_n3A_89 : i32
      %ne3A_91 = arith.constant 0 : i32
      %ne3A_92 = arith.cmpi ne, %rem3A_90, %ne3A_91 : i32
      %lt3A = arith.constant 0 : i32
      %lt3A_93 = arith.cmpi slt, %rem3A_90, %lt3A : i32
      %lt3A_94 = arith.constant 0 : i32
      %lt3A_95 = arith.cmpi slt, %select_n3A_89, %lt3A_94 : i32
      %ne3A_96 = arith.xori %lt3A_93, %lt3A_95 : i1
      %and3A_97 = arith.andi %ne3A_96, %ne3A_92 : i1
      %add3A_98 = arith.addi %rem3A_90, %select_n3A_89 : i32
      %select_n3A_99 = arith.select %and3A_97, %add3A_98, %rem3A_90 : i32
      %mul3A_100 = arith.constant 16 : i32
      %mul3A_101 = arith.muli %select_n3A_99, %mul3A_100 : i32
      %swap3A = arith.index_cast %select_n3A : i32 to index
      %swap3A_102 = arith.index_cast %mul3A_101 : i32 to index
      %swap3A_103 = tpu.vector_load %arg8[%swap3A, %swap3A_102] {strides = array<i32>} : memref<32x128xf32, #tpu.memory_space<vmem>>, vector<16xf32>,
      tpu.vector_store %arg8[%swap3A, %swap3A_102], %broadcast_in_dim3A_69 {strides = array<i32>} : memref<32x128xf32, #tpu.memory_space<vmem>>, vector<16xf32>,
    }
    %scan3A_13 = arith.constant 256 : i32
    %mul3A_14 = arith.constant 160 : i32
    %mul3A_15 = arith.muli %arg1, %mul3A_14 : i32
    %add3A = arith.constant 0 : i32
    %add3A_16 = arith.addi %mul3A_15, %add3A : i32
    "tpu.region"() ({
      %run_scoped3A = tpu.sem_alloc : memref<!tpu.dma_semaphore, #tpu.memory_space<semaphore_mem>>
      %dma_start3A_68 = arith.constant 0 : i32
      %dma_start3A_69 = tpu.memref_slice %arg11[%add3A_16, %dma_start3A_68] : memref<2560x128xf32, #tpu.memory_space<vmem_shared>> -> memref<32x128xf32, #tpu.memory_space<vmem_shared>>
      %dma_start3A_70 = arith.constant 0 : i32
      %dma_start3A_71 = tpu.memref_slice %arg11[%add3A_16, %dma_start3A_70] : memref<2560x128xf32, #tpu.memory_space<vmem_shared>> -> memref<32x128xf32, #tpu.memory_space<vmem_shared>>
      tpu.enqueue_dma source(%arg8 : memref<32x128xf32, #tpu.memory_space<vmem>>) target(%dma_start3A_71 : memref<32x128xf32, #tpu.memory_space<vmem_shared>>) target_semaphore(%run_scoped3A : memref<!tpu.dma_semaphore, #tpu.memory_space<semaphore_mem>>)
      %dma_wait3A_72 = arith.constant 0 : i32
      %dma_wait3A_73 = tpu.memref_slice %arg11[%add3A_16, %dma_wait3A_72] : memref<2560x128xf32, #tpu.memory_space<vmem_shared>> -> memref<32x128xf32, #tpu.memory_space<vmem_shared>>
      %dma_wait3A_74 = arith.constant 0 : i32
      %dma_wait3A_75 = tpu.memref_slice %arg11[%add3A_16, %dma_wait3A_74] : memref<2560x128xf32, #tpu.memory_space<vmem_shared>> -> memref<32x128xf32, #tpu.memory_space<vmem_shared>>
      tpu.wait_dma2 semaphore(%run_scoped3A : memref<!tpu.dma_semaphore, #tpu.memory_space<semaphore_mem>>) src(%arg8 : memref<32x128xf32, #tpu.memory_space<vmem>>) dst(%dma_wait3A_75 : memref<32x128xf32, #tpu.memory_space<vmem_shared>>)
      tpu.yield
    }) : () -> ()
    %mul3A_17 = arith.constant 160 : i32
    %mul3A_18 = arith.muli %arg1, %mul3A_17 : i32
    %add3A_19 = arith.constant 32 : i32
    %add3A_20 = arith.addi %mul3A_18, %add3A_19 : i32
    "tpu.region"() ({
      %run_scoped3A = tpu.sem_alloc : memref<!tpu.dma_semaphore, #tpu.memory_space<semaphore_mem>>
      %dma_start3A_68 = arith.constant 0 : i32
      %dma_start3A_69 = tpu.memref_slice %arg11[%add3A_20, %dma_start3A_68] : memref<2560x128xf32, #tpu.memory_space<vmem_shared>> -> memref<32x128xf32, #tpu.memory_space<vmem_shared>>
      %dma_start3A_70 = arith.constant 0 : i32
      %dma_start3A_71 = tpu.memref_slice %arg11[%add3A_20, %dma_start3A_70] : memref<2560x128xf32, #tpu.memory_space<vmem_shared>> -> memref<32x128xf32, #tpu.memory_space<vmem_shared>>
      tpu.enqueue_dma source(%arg8 : memref<32x128xf32, #tpu.memory_space<vmem>>) target(%dma_start3A_71 : memref<32x128xf32, #tpu.memory_space<vmem_shared>>) target_semaphore(%run_scoped3A : memref<!tpu.dma_semaphore, #tpu.memory_space<semaphore_mem>>)
      %dma_wait3A_72 = arith.constant 0 : i32
      %dma_wait3A_73 = tpu.memref_slice %arg11[%add3A_20, %dma_wait3A_72] : memref<2560x128xf32, #tpu.memory_space<vmem_shared>> -> memref<32x128xf32, #tpu.memory_space<vmem_shared>>
      %dma_wait3A_74 = arith.constant 0 : i32
      %dma_wait3A_75 = tpu.memref_slice %arg11[%add3A_20, %dma_wait3A_74] : memref<2560x128xf32, #tpu.memory_space<vmem_shared>> -> memref<32x128xf32, #tpu.memory_space<vmem_shared>>
      tpu.wait_dma2 semaphore(%run_scoped3A : memref<!tpu.dma_semaphore, #tpu.memory_space<semaphore_mem>>) src(%arg8 : memref<32x128xf32, #tpu.memory_space<vmem>>) dst(%dma_wait3A_75 : memref<32x128xf32, #tpu.memory_space<vmem_shared>>)
      tpu.yield
    }) : () -> ()
    %mul3A_21 = arith.constant 160 : i32
    %mul3A_22 = arith.muli %arg1, %mul3A_21 : i32
    %add3A_23 = arith.constant 64 : i32
    %add3A_24 = arith.addi %mul3A_22, %add3A_23 : i32
    "tpu.region"() ({
      %run_scoped3A = tpu.sem_alloc : memref<!tpu.dma_semaphore, #tpu.memory_space<semaphore_mem>>
      %dma_start3A_68 = arith.constant 0 : i32
      %dma_start3A_69 = tpu.memref_slice %arg11[%add3A_24, %dma_start3A_68] : memref<2560x128xf32, #tpu.memory_space<vmem_shared>> -> memref<32x128xf32, #tpu.memory_space<vmem_shared>>
      %dma_start3A_70 = arith.constant 0 : i32
      %dma_start3A_71 = tpu.memref_slice %arg11[%add3A_24, %dma_start3A_70] : memref<2560x128xf32, #tpu.memory_space<vmem_shared>> -> memref<32x128xf32, #tpu.memory_space<vmem_shared>>
      tpu.enqueue_dma source(%arg8 : memref<32x128xf32, #tpu.memory_space<vmem>>) target(%dma_start3A_71 : memref<32x128xf32, #tpu.memory_space<vmem_shared>>) target_semaphore(%run_scoped3A : memref<!tpu.dma_semaphore, #tpu.memory_space<semaphore_mem>>)
      %dma_wait3A_72 = arith.constant 0 : i32
      %dma_wait3A_73 = tpu.memref_slice %arg11[%add3A_24, %dma_wait3A_72] : memref<2560x128xf32, #tpu.memory_space<vmem_shared>> -> memref<32x128xf32, #tpu.memory_space<vmem_shared>>
      %dma_wait3A_74 = arith.constant 0 : i32
      %dma_wait3A_75 = tpu.memref_slice %arg11[%add3A_24, %dma_wait3A_74] : memref<2560x128xf32, #tpu.memory_space<vmem_shared>> -> memref<32x128xf32, #tpu.memory_space<vmem_shared>>
      tpu.wait_dma2 semaphore(%run_scoped3A : memref<!tpu.dma_semaphore, #tpu.memory_space<semaphore_mem>>) src(%arg8 : memref<32x128xf32, #tpu.memory_space<vmem>>) dst(%dma_wait3A_75 : memref<32x128xf32, #tpu.memory_space<vmem_shared>>)
      tpu.yield
    }) : () -> ()
    %mul3A_25 = arith.constant 160 : i32
    %mul3A_26 = arith.muli %arg1, %mul3A_25 : i32
    %add3A_27 = arith.constant 96 : i32
    %add3A_28 = arith.addi %mul3A_26, %add3A_27 : i32
    "tpu.region"() ({
      %run_scoped3A = tpu.sem_alloc : memref<!tpu.dma_semaphore, #tpu.memory_space<semaphore_mem>>
      %dma_start3A_68 = arith.constant 0 : i32
      %dma_start3A_69 = tpu.memref_slice %arg11[%add3A_28, %dma_start3A_68] : memref<2560x128xf32, #tpu.memory_space<vmem_shared>> -> memref<32x128xf32, #tpu.memory_space<vmem_shared>>
      %dma_start3A_70 = arith.constant 0 : i32
      %dma_start3A_71 = tpu.memref_slice %arg11[%add3A_28, %dma_start3A_70] : memref<2560x128xf32, #tpu.memory_space<vmem_shared>> -> memref<32x128xf32, #tpu.memory_space<vmem_shared>>
      tpu.enqueue_dma source(%arg8 : memref<32x128xf32, #tpu.memory_space<vmem>>) target(%dma_start3A_71 : memref<32x128xf32, #tpu.memory_space<vmem_shared>>) target_semaphore(%run_scoped3A : memref<!tpu.dma_semaphore, #tpu.memory_space<semaphore_mem>>)
      %dma_wait3A_72 = arith.constant 0 : i32
      %dma_wait3A_73 = tpu.memref_slice %arg11[%add3A_28, %dma_wait3A_72] : memref<2560x128xf32, #tpu.memory_space<vmem_shared>> -> memref<32x128xf32, #tpu.memory_space<vmem_shared>>
      %dma_wait3A_74 = arith.constant 0 : i32
      %dma_wait3A_75 = tpu.memref_slice %arg11[%add3A_28, %dma_wait3A_74] : memref<2560x128xf32, #tpu.memory_space<vmem_shared>> -> memref<32x128xf32, #tpu.memory_space<vmem_shared>>
      tpu.wait_dma2 semaphore(%run_scoped3A : memref<!tpu.dma_semaphore, #tpu.memory_space<semaphore_mem>>) src(%arg8 : memref<32x128xf32, #tpu.memory_space<vmem>>) dst(%dma_wait3A_75 : memref<32x128xf32, #tpu.memory_space<vmem_shared>>)
      tpu.yield
    }) : () -> ()
    %mul3A_29 = arith.constant 160 : i32
    %mul3A_30 = arith.muli %arg1, %mul3A_29 : i32
    %add3A_31 = arith.constant 128 : i32
    %add3A_32 = arith.addi %mul3A_30, %add3A_31 : i32
    "tpu.region"() ({
      %run_scoped3A = tpu.sem_alloc : memref<!tpu.dma_semaphore, #tpu.memory_space<semaphore_mem>>
      %dma_start3A_68 = arith.constant 0 : i32
      %dma_start3A_69 = tpu.memref_slice %arg11[%add3A_32, %dma_start3A_68] : memref<2560x128xf32, #tpu.memory_space<vmem_shared>> -> memref<32x128xf32, #tpu.memory_space<vmem_shared>>
      %dma_start3A_70 = arith.constant 0 : i32
      %dma_start3A_71 = tpu.memref_slice %arg11[%add3A_32, %dma_start3A_70] : memref<2560x128xf32, #tpu.memory_space<vmem_shared>> -> memref<32x128xf32, #tpu.memory_space<vmem_shared>>
      tpu.enqueue_dma source(%arg8 : memref<32x128xf32, #tpu.memory_space<vmem>>) target(%dma_start3A_71 : memref<32x128xf32, #tpu.memory_space<vmem_shared>>) target_semaphore(%run_scoped3A : memref<!tpu.dma_semaphore, #tpu.memory_space<semaphore_mem>>)
      %dma_wait3A_72 = arith.constant 0 : i32
      %dma_wait3A_73 = tpu.memref_slice %arg11[%add3A_32, %dma_wait3A_72] : memref<2560x128xf32, #tpu.memory_space<vmem_shared>> -> memref<32x128xf32, #tpu.memory_space<vmem_shared>>
      %dma_wait3A_74 = arith.constant 0 : i32
      %dma_wait3A_75 = tpu.memref_slice %arg11[%add3A_32, %dma_wait3A_74] : memref<2560x128xf32, #tpu.memory_space<vmem_shared>> -> memref<32x128xf32, #tpu.memory_space<vmem_shared>>
      tpu.wait_dma2 semaphore(%run_scoped3A : memref<!tpu.dma_semaphore, #tpu.memory_space<semaphore_mem>>) src(%arg8 : memref<32x128xf32, #tpu.memory_space<vmem>>) dst(%dma_wait3A_75 : memref<32x128xf32, #tpu.memory_space<vmem_shared>>)
      tpu.yield
    }) : () -> ()
    %barrier3A = arith.constant 0 : index
    tpu.barrier barrier_id(%barrier3A)
    %mul3A_33 = arith.constant 327680 : i32
    %mul3A_34 = arith.muli %arg0, %mul3A_33 : i32
    %add3A_35 = arith.constant 0 : i32
    %add3A_36 = arith.addi %mul3A_34, %add3A_35 : i32
    %dma_start3A = tpu.memref_slice %arg3[%add3A_36] : memref<655360xi32, #tpu.memory_space<hbm>> -> memref<4096xi32, #tpu.memory_space<hbm>>
    %dma_start3A_37 = tpu.memref_slice %arg3[%add3A_36] : memref<655360xi32, #tpu.memory_space<hbm>> -> memref<4096xi32, #tpu.memory_space<hbm>>
    tpu.enqueue_dma source(%dma_start3A_37 : memref<4096xi32, #tpu.memory_space<hbm>>) target(%arg6 : memref<4096xi32, #tpu.memory_space<vmem>>) target_semaphore(%arg12 : memref<!tpu.dma_semaphore, #tpu.memory_space<semaphore_mem>>)
    %mul3A_38 = arith.constant 327680 : i32
    %mul3A_39 = arith.muli %arg0, %mul3A_38 : i32
    %add3A_40 = arith.constant 4096 : i32
    %add3A_41 = arith.addi %mul3A_39, %add3A_40 : i32
    %dma_start3A_42 = tpu.memref_slice %arg3[%add3A_41] : memref<655360xi32, #tpu.memory_space<hbm>> -> memref<4096xi32, #tpu.memory_space<hbm>>
    %dma_start3A_43 = tpu.memref_slice %arg3[%add3A_41] : memref<655360xi32, #tpu.memory_space<hbm>> -> memref<4096xi32, #tpu.memory_space<hbm>>
    tpu.enqueue_dma source(%dma_start3A_43 : memref<4096xi32, #tpu.memory_space<hbm>>) target(%arg7 : memref<4096xi32, #tpu.memory_space<vmem>>) target_semaphore(%arg13 : memref<!tpu.dma_semaphore, #tpu.memory_space<semaphore_mem>>)
    %scan3A_44 = arith.constant 0 : i32
    %scan3A_45 = arith.constant 0 : i32
    %scan3A_46 = arith.constant 40 : i32
    %scan3A_47 = arith.addi %scan3A_45, %scan3A_46 : i32
    %scan3A_48 = arith.constant 1 : i32
    scf.for %scan3A_68 = %scan3A_45 to %scan3A_47 step %scan3A_48  : i32 {
      %mul3A_69 = arith.constant 2 : i32
      %mul3A_70 = arith.muli %scan3A_68, %mul3A_69 : i32
      %add3A_71 = arith.constant 0 : i32
      %add3A_72 = arith.addi %mul3A_70, %add3A_71 : i32
      %dma_wait3A_73 = arith.constant 0 : i32
      %dma_wait3A_74 = tpu.memref_slice %arg3[%dma_wait3A_73] : memref<655360xi32, #tpu.memory_space<hbm>> -> memref<4096xi32, #tpu.memory_space<hbm>>
      %dma_wait3A_75 = arith.constant 0 : i32
      %dma_wait3A_76 = tpu.memref_slice %arg3[%dma_wait3A_75] : memref<655360xi32, #tpu.memory_space<hbm>> -> memref<4096xi32, #tpu.memory_space<hbm>>
      tpu.wait_dma2 semaphore(%arg12 : memref<!tpu.dma_semaphore, #tpu.memory_space<semaphore_mem>>) src(%dma_wait3A_76 : memref<4096xi32, #tpu.memory_space<hbm>>) dst(%arg6 : memref<4096xi32, #tpu.memory_space<vmem>>)
      %ge3A = arith.constant 2 : i32
      %ge3A_77 = arith.cmpi sge, %add3A_72, %ge3A : i32
      %convert_element_type3A = arith.extui %ge3A_77 : i1 to i32
      %cond3A = arith.constant 0 : i32
      %cond3A_78 = arith.cmpi ne, %convert_element_type3A, %cond3A : i32
      scf.if %cond3A_78 {
        %dma_wait3A_122 = arith.constant 0 : i32
        %dma_wait3A_123 = arith.constant 0 : i32
        %dma_wait3A_124 = tpu.memref_slice %arg10[%dma_wait3A_122, %dma_wait3A_123] : memref<80x32xi32, #tpu.memory_space<vmem>> -> memref<1x32xi32, #tpu.memory_space<vmem>>
        %dma_wait3A_125 = tpu.memref_squeeze %dma_wait3A_124 : memref<1x32xi32, #tpu.memory_space<vmem>> -> memref<32xi32, #tpu.memory_space<vmem>>
        %dma_wait3A_126 = arith.constant 0 : i32
        %dma_wait3A_127 = arith.constant 0 : i32
        %dma_wait3A_128 = tpu.memref_slice %arg11[%dma_wait3A_126, %dma_wait3A_127] : memref<2560x128xf32, #tpu.memory_space<vmem_shared>> -> memref<2560x128xf32, #tpu.memory_space<vmem_shared>>
        tpu.wait_indirect_dma semaphore(%arg14 : memref<!tpu.dma_semaphore, #tpu.memory_space<semaphore_mem>>) src(%arg8 : memref<32x128xf32, #tpu.memory_space<vmem>>) dst(%dma_wait3A_128 : memref<2560x128xf32, #tpu.memory_space<vmem_shared>>)
      } else {
      }
      %parallel_loop3A = arith.constant 0 : i32
      %parallel_loop3A_79 = arith.constant 256 : i32
      %parallel_loop3A_80 = arith.constant 1 : i32
      scf.for %parallel_loop3A_122 = %parallel_loop3A to %parallel_loop3A_79 step %parallel_loop3A_80  : i32 {
        %parallel_loop3A_123 = arith.constant 16 : i32
        %parallel_loop3A_124 = arith.muli %parallel_loop3A_122, %parallel_loop3A_123 : i32
        %parallel_loop3A_125 = arith.index_cast %parallel_loop3A_124 : i32 to index
        %parallel_loop3A_126 = tpu.vector_load %arg6[%parallel_loop3A_125] {strides = array<i32>} : memref<4096xi32, #tpu.memory_space<vmem>>, vector<16xi32>,
        %parallel_loop3A_127 = arith.constant 14 : i32
        %parallel_loop3A_128 = vector.broadcast %parallel_loop3A_127 : i32 to vector<16xi32>
        %parallel_loop3A_129 = arith.shrui %parallel_loop3A_126, %parallel_loop3A_128 : vector<16xi32>
        %parallel_loop3A_130 = arith.constant 16383 : i32
        %parallel_loop3A_131 = vector.broadcast %parallel_loop3A_130 : i32 to vector<16xi32>
        %parallel_loop3A_132 = arith.andi %parallel_loop3A_126, %parallel_loop3A_131 : vector<16xi32>
        %parallel_loop3A_133 = arith.constant 0.000000e+00 : f32
        %parallel_loop3A_134 = vector.broadcast %parallel_loop3A_133 : f32 to vector<16xf32>
        %parallel_loop3A_135 = arith.constant 0 : i32
        %parallel_loop3A_136 = tpu.memref_slice %arg5[%parallel_loop3A_135] : memref<80000xf32, #tpu.memory_space<vmem>> -> memref<10000xf32, #tpu.memory_space<vmem>>
        %parallel_loop3A_137 = tpu.vector_load_idx %parallel_loop3A_136[%parallel_loop3A_129] : memref<10000xf32, #tpu.memory_space<vmem>>[vector<16xi32>], vector<16xf32>,
        %parallel_loop3A_138 = arith.constant 0 : i32
        %parallel_loop3A_139 = tpu.memref_slice %arg5[%parallel_loop3A_138] : memref<80000xf32, #tpu.memory_space<vmem>> -> memref<10000xf32, #tpu.memory_space<vmem>>
        %parallel_loop3A_140 = tpu.vector_load_idx %parallel_loop3A_139[%parallel_loop3A_132] : memref<10000xf32, #tpu.memory_space<vmem>>[vector<16xi32>], vector<16xf32>,
        %parallel_loop3A_141 = arith.mulf %parallel_loop3A_137, %parallel_loop3A_140 : vector<16xf32>
        %parallel_loop3A_142 = arith.addf %parallel_loop3A_134, %parallel_loop3A_141 : vector<16xf32>
        %parallel_loop3A_143 = arith.constant 10000 : i32
        %parallel_loop3A_144 = tpu.memref_slice %arg5[%parallel_loop3A_143] : memref<80000xf32, #tpu.memory_space<vmem>> -> memref<10000xf32, #tpu.memory_space<vmem>>
        %parallel_loop3A_145 = tpu.vector_load_idx %parallel_loop3A_144[%parallel_loop3A_129] : memref<10000xf32, #tpu.memory_space<vmem>>[vector<16xi32>], vector<16xf32>,
        %parallel_loop3A_146 = arith.constant 10000 : i32
        %parallel_loop3A_147 = tpu.memref_slice %arg5[%parallel_loop3A_146] : memref<80000xf32, #tpu.memory_space<vmem>> -> memref<10000xf32, #tpu.memory_space<vmem>>
        %parallel_loop3A_148 = tpu.vector_load_idx %parallel_loop3A_147[%parallel_loop3A_132] : memref<10000xf32, #tpu.memory_space<vmem>>[vector<16xi32>], vector<16xf32>,
        %parallel_loop3A_149 = arith.mulf %parallel_loop3A_145, %parallel_loop3A_148 : vector<16xf32>
        %parallel_loop3A_150 = arith.addf %parallel_loop3A_142, %parallel_loop3A_149 : vector<16xf32>
        %parallel_loop3A_151 = arith.constant 20000 : i32
        %parallel_loop3A_152 = tpu.memref_slice %arg5[%parallel_loop3A_151] : memref<80000xf32, #tpu.memory_space<vmem>> -> memref<10000xf32, #tpu.memory_space<vmem>>
        %parallel_loop3A_153 = tpu.vector_load_idx %parallel_loop3A_152[%parallel_loop3A_129] : memref<10000xf32, #tpu.memory_space<vmem>>[vector<16xi32>], vector<16xf32>,
        %parallel_loop3A_154 = arith.constant 20000 : i32
        %parallel_loop3A_155 = tpu.memref_slice %arg5[%parallel_loop3A_154] : memref<80000xf32, #tpu.memory_space<vmem>> -> memref<10000xf32, #tpu.memory_space<vmem>>
        %parallel_loop3A_156 = tpu.vector_load_idx %parallel_loop3A_155[%parallel_loop3A_132] : memref<10000xf32, #tpu.memory_space<vmem>>[vector<16xi32>], vector<16xf32>,
        %parallel_loop3A_157 = arith.mulf %parallel_loop3A_153, %parallel_loop3A_156 : vector<16xf32>
        %parallel_loop3A_158 = arith.addf %parallel_loop3A_150, %parallel_loop3A_157 : vector<16xf32>
        %parallel_loop3A_159 = arith.constant 30000 : i32
        %parallel_loop3A_160 = tpu.memref_slice %arg5[%parallel_loop3A_159] : memref<80000xf32, #tpu.memory_space<vmem>> -> memref<10000xf32, #tpu.memory_space<vmem>>
        %parallel_loop3A_161 = tpu.vector_load_idx %parallel_loop3A_160[%parallel_loop3A_129] : memref<10000xf32, #tpu.memory_space<vmem>>[vector<16xi32>], vector<16xf32>,
        %parallel_loop3A_162 = arith.constant 30000 : i32
        %parallel_loop3A_163 = tpu.memref_slice %arg5[%parallel_loop3A_162] : memref<80000xf32, #tpu.memory_space<vmem>> -> memref<10000xf32, #tpu.memory_space<vmem>>
        %parallel_loop3A_164 = tpu.vector_load_idx %parallel_loop3A_163[%parallel_loop3A_132] : memref<10000xf32, #tpu.memory_space<vmem>>[vector<16xi32>], vector<16xf32>,
        %parallel_loop3A_165 = arith.mulf %parallel_loop3A_161, %parallel_loop3A_164 : vector<16xf32>
        %parallel_loop3A_166 = arith.addf %parallel_loop3A_158, %parallel_loop3A_165 : vector<16xf32>
        %parallel_loop3A_167 = arith.constant 40000 : i32
        %parallel_loop3A_168 = tpu.memref_slice %arg5[%parallel_loop3A_167] : memref<80000xf32, #tpu.memory_space<vmem>> -> memref<10000xf32, #tpu.memory_space<vmem>>
        %parallel_loop3A_169 = tpu.vector_load_idx %parallel_loop3A_168[%parallel_loop3A_129] : memref<10000xf32, #tpu.memory_space<vmem>>[vector<16xi32>], vector<16xf32>,
        %parallel_loop3A_170 = arith.constant 40000 : i32
        %parallel_loop3A_171 = tpu.memref_slice %arg5[%parallel_loop3A_170] : memref<80000xf32, #tpu.memory_space<vmem>> -> memref<10000xf32, #tpu.memory_space<vmem>>
        %parallel_loop3A_172 = tpu.vector_load_idx %parallel_loop3A_171[%parallel_loop3A_132] : memref<10000xf32, #tpu.memory_space<vmem>>[vector<16xi32>], vector<16xf32>,
        %parallel_loop3A_173 = arith.mulf %parallel_loop3A_169, %parallel_loop3A_172 : vector<16xf32>
        %parallel_loop3A_174 = arith.addf %parallel_loop3A_166, %parallel_loop3A_173 : vector<16xf32>
        %parallel_loop3A_175 = arith.constant 50000 : i32
        %parallel_loop3A_176 = tpu.memref_slice %arg5[%parallel_loop3A_175] : memref<80000xf32, #tpu.memory_space<vmem>> -> memref<10000xf32, #tpu.memory_space<vmem>>
        %parallel_loop3A_177 = tpu.vector_load_idx %parallel_loop3A_176[%parallel_loop3A_129] : memref<10000xf32, #tpu.memory_space<vmem>>[vector<16xi32>], vector<16xf32>,
        %parallel_loop3A_178 = arith.constant 50000 : i32
        %parallel_loop3A_179 = tpu.memref_slice %arg5[%parallel_loop3A_178] : memref<80000xf32, #tpu.memory_space<vmem>> -> memref<10000xf32, #tpu.memory_space<vmem>>
        %parallel_loop3A_180 = tpu.vector_load_idx %parallel_loop3A_179[%parallel_loop3A_132] : memref<10000xf32, #tpu.memory_space<vmem>>[vector<16xi32>], vector<16xf32>,
        %parallel_loop3A_181 = arith.mulf %parallel_loop3A_177, %parallel_loop3A_180 : vector<16xf32>
        %parallel_loop3A_182 = arith.addf %parallel_loop3A_174, %parallel_loop3A_181 : vector<16xf32>
        %parallel_loop3A_183 = arith.constant 60000 : i32
        %parallel_loop3A_184 = tpu.memref_slice %arg5[%parallel_loop3A_183] : memref<80000xf32, #tpu.memory_space<vmem>> -> memref<10000xf32, #tpu.memory_space<vmem>>
        %parallel_loop3A_185 = tpu.vector_load_idx %parallel_loop3A_184[%parallel_loop3A_129] : memref<10000xf32, #tpu.memory_space<vmem>>[vector<16xi32>], vector<16xf32>,
        %parallel_loop3A_186 = arith.constant 60000 : i32
        %parallel_loop3A_187 = tpu.memref_slice %arg5[%parallel_loop3A_186] : memref<80000xf32, #tpu.memory_space<vmem>> -> memref<10000xf32, #tpu.memory_space<vmem>>
        %parallel_loop3A_188 = tpu.vector_load_idx %parallel_loop3A_187[%parallel_loop3A_132] : memref<10000xf32, #tpu.memory_space<vmem>>[vector<16xi32>], vector<16xf32>,
        %parallel_loop3A_189 = arith.mulf %parallel_loop3A_185, %parallel_loop3A_188 : vector<16xf32>
        %parallel_loop3A_190 = arith.addf %parallel_loop3A_182, %parallel_loop3A_189 : vector<16xf32>
        %parallel_loop3A_191 = arith.constant 70000 : i32
        %parallel_loop3A_192 = tpu.memref_slice %arg5[%parallel_loop3A_191] : memref<80000xf32, #tpu.memory_space<vmem>> -> memref<10000xf32, #tpu.memory_space<vmem>>
        %parallel_loop3A_193 = tpu.vector_load_idx %parallel_loop3A_192[%parallel_loop3A_129] : memref<10000xf32, #tpu.memory_space<vmem>>[vector<16xi32>], vector<16xf32>,
        %parallel_loop3A_194 = arith.constant 70000 : i32
        %parallel_loop3A_195 = tpu.memref_slice %arg5[%parallel_loop3A_194] : memref<80000xf32, #tpu.memory_space<vmem>> -> memref<10000xf32, #tpu.memory_space<vmem>>
        %parallel_loop3A_196 = tpu.vector_load_idx %parallel_loop3A_195[%parallel_loop3A_132] : memref<10000xf32, #tpu.memory_space<vmem>>[vector<16xi32>], vector<16xf32>,
        %parallel_loop3A_197 = arith.mulf %parallel_loop3A_193, %parallel_loop3A_196 : vector<16xf32>
        %parallel_loop3A_198 = arith.addf %parallel_loop3A_190, %parallel_loop3A_197 : vector<16xf32>
        %parallel_loop3A_199 = arith.constant 8 : i32
        %parallel_loop3A_200 = arith.divsi %parallel_loop3A_122, %parallel_loop3A_199 : i32
        %parallel_loop3A_201 = arith.constant 0 : i32
        %parallel_loop3A_202 = arith.cmpi sgt, %parallel_loop3A_122, %parallel_loop3A_201 : i32
        %parallel_loop3A_203 = arith.extui %parallel_loop3A_202 : i1 to i32
        %parallel_loop3A_204 = arith.constant 0 : i32
        %parallel_loop3A_205 = arith.cmpi slt, %parallel_loop3A_122, %parallel_loop3A_204 : i32
        %parallel_loop3A_206 = arith.extui %parallel_loop3A_205 : i1 to i32
        %parallel_loop3A_207 = arith.subi %parallel_loop3A_203, %parallel_loop3A_206 : i32
        %parallel_loop3A_208 = arith.constant 0 : i32
        %parallel_loop3A_209 = arith.cmpi sgt, %parallel_loop3A_199, %parallel_loop3A_208 : i32
        %parallel_loop3A_210 = arith.extui %parallel_loop3A_209 : i1 to i32
        %parallel_loop3A_211 = arith.constant 0 : i32
        %parallel_loop3A_212 = arith.cmpi slt, %parallel_loop3A_199, %parallel_loop3A_211 : i32
        %parallel_loop3A_213 = arith.extui %parallel_loop3A_212 : i1 to i32
        %parallel_loop3A_214 = arith.subi %parallel_loop3A_210, %parallel_loop3A_213 : i32
        %parallel_loop3A_215 = arith.cmpi ne, %parallel_loop3A_207, %parallel_loop3A_214 : i32
        %parallel_loop3A_216 = arith.remsi %parallel_loop3A_122, %parallel_loop3A_199 : i32
        %parallel_loop3A_217 = arith.constant 0 : i32
        %parallel_loop3A_218 = arith.cmpi ne, %parallel_loop3A_216, %parallel_loop3A_217 : i32
        %parallel_loop3A_219 = arith.andi %parallel_loop3A_215, %parallel_loop3A_218 : i1
        %parallel_loop3A_220 = arith.constant 1 : i32
        %parallel_loop3A_221 = arith.subi %parallel_loop3A_200, %parallel_loop3A_220 : i32
        %parallel_loop3A_222 = arith.select %parallel_loop3A_219, %parallel_loop3A_221, %parallel_loop3A_200 : i32
        %parallel_loop3A_223 = arith.constant 8 : i32
        %parallel_loop3A_224 = arith.constant 0 : i32
        %parallel_loop3A_225 = arith.cmpi eq, %parallel_loop3A_223, %parallel_loop3A_224 : i32
        %parallel_loop3A_226 = arith.constant 1 : i32
        %parallel_loop3A_227 = arith.select %parallel_loop3A_225, %parallel_loop3A_226, %parallel_loop3A_223 : i32
        %parallel_loop3A_228 = arith.remsi %parallel_loop3A_122, %parallel_loop3A_227 : i32
        %parallel_loop3A_229 = arith.constant 0 : i32
        %parallel_loop3A_230 = arith.cmpi ne, %parallel_loop3A_228, %parallel_loop3A_229 : i32
        %parallel_loop3A_231 = arith.constant 0 : i32
        %parallel_loop3A_232 = arith.cmpi slt, %parallel_loop3A_228, %parallel_loop3A_231 : i32
        %parallel_loop3A_233 = arith.constant 0 : i32
        %parallel_loop3A_234 = arith.cmpi slt, %parallel_loop3A_227, %parallel_loop3A_233 : i32
        %parallel_loop3A_235 = arith.xori %parallel_loop3A_232, %parallel_loop3A_234 : i1
        %parallel_loop3A_236 = arith.andi %parallel_loop3A_235, %parallel_loop3A_230 : i1
        %parallel_loop3A_237 = arith.addi %parallel_loop3A_228, %parallel_loop3A_227 : i32
        %parallel_loop3A_238 = arith.select %parallel_loop3A_236, %parallel_loop3A_237, %parallel_loop3A_228 : i32
        %parallel_loop3A_239 = arith.constant 16 : i32
        %parallel_loop3A_240 = arith.muli %parallel_loop3A_238, %parallel_loop3A_239 : i32
        %parallel_loop3A_241 = arith.index_cast %parallel_loop3A_222 : i32 to index
        %parallel_loop3A_242 = arith.index_cast %parallel_loop3A_240 : i32 to index
        %parallel_loop3A_243 = tpu.vector_load %arg8[%parallel_loop3A_241, %parallel_loop3A_242] {strides = array<i32>} : memref<32x128xf32, #tpu.memory_space<vmem>>, vector<16xf32>,
        tpu.vector_store %arg8[%parallel_loop3A_241, %parallel_loop3A_242], %parallel_loop3A_198 {strides = array<i32>} : memref<32x128xf32, #tpu.memory_space<vmem>>, vector<16xf32>,
      } {sc.loop_unroll_factor = 3 : i64, sc.parallel_access}
      %dma_start3A_81 = arith.constant 0 : i32
      %dma_start3A_82 = tpu.memref_slice %arg10[%add3A_72, %dma_start3A_81] : memref<80x32xi32, #tpu.memory_space<vmem>> -> memref<1x32xi32, #tpu.memory_space<vmem>>
      %dma_start3A_83 = tpu.memref_squeeze %dma_start3A_82 : memref<1x32xi32, #tpu.memory_space<vmem>> -> memref<32xi32, #tpu.memory_space<vmem>>
      %dma_start3A_84 = arith.constant 0 : i32
      %dma_start3A_85 = arith.constant 0 : i32
      %dma_start3A_86 = tpu.memref_slice %arg11[%dma_start3A_84, %dma_start3A_85] : memref<2560x128xf32, #tpu.memory_space<vmem_shared>> -> memref<2560x128xf32, #tpu.memory_space<vmem_shared>>
      tpu.enqueue_indirect_dma source(%arg8 : memref<32x128xf32, #tpu.memory_space<vmem>>) target(%dma_start3A_86 : memref<2560x128xf32, #tpu.memory_space<vmem_shared>>) offsets(%dma_start3A_83 : memref<32xi32, #tpu.memory_space<vmem>>) semaphore(%arg14 : memref<!tpu.dma_semaphore, #tpu.memory_space<semaphore_mem>>) {add = true}
      %add3A_87 = arith.constant 2 : i32
      %add3A_88 = arith.addi %add3A_72, %add3A_87 : i32
      %lt3A = arith.constant 80 : i32
      %lt3A_89 = arith.cmpi slt, %add3A_88, %lt3A : i32
      %convert_element_type3A_90 = arith.extui %lt3A_89 : i1 to i32
      %cond3A_91 = arith.constant 0 : i32
      %cond3A_92 = arith.cmpi ne, %convert_element_type3A_90, %cond3A_91 : i32
      scf.if %cond3A_92 {
        %add3A_122 = arith.constant 2 : i32
        %add3A_123 = arith.addi %add3A_72, %add3A_122 : i32
        %mul3A_124 = arith.constant 327680 : i32
        %mul3A_125 = arith.muli %arg0, %mul3A_124 : i32
        %mul3A_126 = arith.constant 4096 : i32
        %mul3A_127 = arith.muli %add3A_123, %mul3A_126 : i32
        %add3A_128 = arith.addi %mul3A_125, %mul3A_127 : i32
        %dma_start3A_129 = tpu.memref_slice %arg3[%add3A_128] : memref<655360xi32, #tpu.memory_space<hbm>> -> memref<4096xi32, #tpu.memory_space<hbm>>
        %dma_start3A_130 = tpu.memref_slice %arg3[%add3A_128] : memref<655360xi32, #tpu.memory_space<hbm>> -> memref<4096xi32, #tpu.memory_space<hbm>>
        tpu.enqueue_dma source(%dma_start3A_130 : memref<4096xi32, #tpu.memory_space<hbm>>) target(%arg6 : memref<4096xi32, #tpu.memory_space<vmem>>) target_semaphore(%arg12 : memref<!tpu.dma_semaphore, #tpu.memory_space<semaphore_mem>>)
      } else {
      }
      %mul3A_93 = arith.constant 2 : i32
      %mul3A_94 = arith.muli %scan3A_68, %mul3A_93 : i32
      %add3A_95 = arith.constant 1 : i32
      %add3A_96 = arith.addi %mul3A_94, %add3A_95 : i32
      %dma_wait3A_97 = arith.constant 0 : i32
      %dma_wait3A_98 = tpu.memref_slice %arg3[%dma_wait3A_97] : memref<655360xi32, #tpu.memory_space<hbm>> -> memref<4096xi32, #tpu.memory_space<hbm>>
      %dma_wait3A_99 = arith.constant 0 : i32
      %dma_wait3A_100 = tpu.memref_slice %arg3[%dma_wait3A_99] : memref<655360xi32, #tpu.memory_space<hbm>> -> memref<4096xi32, #tpu.memory_space<hbm>>
      tpu.wait_dma2 semaphore(%arg13 : memref<!tpu.dma_semaphore, #tpu.memory_space<semaphore_mem>>) src(%dma_wait3A_100 : memref<4096xi32, #tpu.memory_space<hbm>>) dst(%arg7 : memref<4096xi32, #tpu.memory_space<vmem>>)
      %ge3A_101 = arith.constant 2 : i32
      %ge3A_102 = arith.cmpi sge, %add3A_96, %ge3A_101 : i32
      %convert_element_type3A_103 = arith.extui %ge3A_102 : i1 to i32
      %cond3A_104 = arith.constant 0 : i32
      %cond3A_105 = arith.cmpi ne, %convert_element_type3A_103, %cond3A_104 : i32
      scf.if %cond3A_105 {
        %dma_wait3A_122 = arith.constant 0 : i32
        %dma_wait3A_123 = arith.constant 0 : i32
        %dma_wait3A_124 = tpu.memref_slice %arg10[%dma_wait3A_122, %dma_wait3A_123] : memref<80x32xi32, #tpu.memory_space<vmem>> -> memref<1x32xi32, #tpu.memory_space<vmem>>
        %dma_wait3A_125 = tpu.memref_squeeze %dma_wait3A_124 : memref<1x32xi32, #tpu.memory_space<vmem>> -> memref<32xi32, #tpu.memory_space<vmem>>
        %dma_wait3A_126 = arith.constant 0 : i32
        %dma_wait3A_127 = arith.constant 0 : i32
        %dma_wait3A_128 = tpu.memref_slice %arg11[%dma_wait3A_126, %dma_wait3A_127] : memref<2560x128xf32, #tpu.memory_space<vmem_shared>> -> memref<2560x128xf32, #tpu.memory_space<vmem_shared>>
        tpu.wait_indirect_dma semaphore(%arg15 : memref<!tpu.dma_semaphore, #tpu.memory_space<semaphore_mem>>) src(%arg9 : memref<32x128xf32, #tpu.memory_space<vmem>>) dst(%dma_wait3A_128 : memref<2560x128xf32, #tpu.memory_space<vmem_shared>>)
      } else {
      }
      %parallel_loop3A_106 = arith.constant 0 : i32
      %parallel_loop3A_107 = arith.constant 256 : i32
      %parallel_loop3A_108 = arith.constant 1 : i32
      scf.for %parallel_loop3A_122 = %parallel_loop3A_106 to %parallel_loop3A_107 step %parallel_loop3A_108  : i32 {
        %parallel_loop3A_123 = arith.constant 16 : i32
        %parallel_loop3A_124 = arith.muli %parallel_loop3A_122, %parallel_loop3A_123 : i32
        %parallel_loop3A_125 = arith.index_cast %parallel_loop3A_124 : i32 to index
        %parallel_loop3A_126 = tpu.vector_load %arg7[%parallel_loop3A_125] {strides = array<i32>} : memref<4096xi32, #tpu.memory_space<vmem>>, vector<16xi32>,
        %parallel_loop3A_127 = arith.constant 14 : i32
        %parallel_loop3A_128 = vector.broadcast %parallel_loop3A_127 : i32 to vector<16xi32>
        %parallel_loop3A_129 = arith.shrui %parallel_loop3A_126, %parallel_loop3A_128 : vector<16xi32>
        %parallel_loop3A_130 = arith.constant 16383 : i32
        %parallel_loop3A_131 = vector.broadcast %parallel_loop3A_130 : i32 to vector<16xi32>
        %parallel_loop3A_132 = arith.andi %parallel_loop3A_126, %parallel_loop3A_131 : vector<16xi32>
        %parallel_loop3A_133 = arith.constant 0.000000e+00 : f32
        %parallel_loop3A_134 = vector.broadcast %parallel_loop3A_133 : f32 to vector<16xf32>
        %parallel_loop3A_135 = arith.constant 0 : i32
        %parallel_loop3A_136 = tpu.memref_slice %arg5[%parallel_loop3A_135] : memref<80000xf32, #tpu.memory_space<vmem>> -> memref<10000xf32, #tpu.memory_space<vmem>>
        %parallel_loop3A_137 = tpu.vector_load_idx %parallel_loop3A_136[%parallel_loop3A_129] : memref<10000xf32, #tpu.memory_space<vmem>>[vector<16xi32>], vector<16xf32>,
        %parallel_loop3A_138 = arith.constant 0 : i32
        %parallel_loop3A_139 = tpu.memref_slice %arg5[%parallel_loop3A_138] : memref<80000xf32, #tpu.memory_space<vmem>> -> memref<10000xf32, #tpu.memory_space<vmem>>
        %parallel_loop3A_140 = tpu.vector_load_idx %parallel_loop3A_139[%parallel_loop3A_132] : memref<10000xf32, #tpu.memory_space<vmem>>[vector<16xi32>], vector<16xf32>,
        %parallel_loop3A_141 = arith.mulf %parallel_loop3A_137, %parallel_loop3A_140 : vector<16xf32>
        %parallel_loop3A_142 = arith.addf %parallel_loop3A_134, %parallel_loop3A_141 : vector<16xf32>
        %parallel_loop3A_143 = arith.constant 10000 : i32
        %parallel_loop3A_144 = tpu.memref_slice %arg5[%parallel_loop3A_143] : memref<80000xf32, #tpu.memory_space<vmem>> -> memref<10000xf32, #tpu.memory_space<vmem>>
        %parallel_loop3A_145 = tpu.vector_load_idx %parallel_loop3A_144[%parallel_loop3A_129] : memref<10000xf32, #tpu.memory_space<vmem>>[vector<16xi32>], vector<16xf32>,
        %parallel_loop3A_146 = arith.constant 10000 : i32
        %parallel_loop3A_147 = tpu.memref_slice %arg5[%parallel_loop3A_146] : memref<80000xf32, #tpu.memory_space<vmem>> -> memref<10000xf32, #tpu.memory_space<vmem>>
        %parallel_loop3A_148 = tpu.vector_load_idx %parallel_loop3A_147[%parallel_loop3A_132] : memref<10000xf32, #tpu.memory_space<vmem>>[vector<16xi32>], vector<16xf32>,
        %parallel_loop3A_149 = arith.mulf %parallel_loop3A_145, %parallel_loop3A_148 : vector<16xf32>
        %parallel_loop3A_150 = arith.addf %parallel_loop3A_142, %parallel_loop3A_149 : vector<16xf32>
        %parallel_loop3A_151 = arith.constant 20000 : i32
        %parallel_loop3A_152 = tpu.memref_slice %arg5[%parallel_loop3A_151] : memref<80000xf32, #tpu.memory_space<vmem>> -> memref<10000xf32, #tpu.memory_space<vmem>>
        %parallel_loop3A_153 = tpu.vector_load_idx %parallel_loop3A_152[%parallel_loop3A_129] : memref<10000xf32, #tpu.memory_space<vmem>>[vector<16xi32>], vector<16xf32>,
        %parallel_loop3A_154 = arith.constant 20000 : i32
        %parallel_loop3A_155 = tpu.memref_slice %arg5[%parallel_loop3A_154] : memref<80000xf32, #tpu.memory_space<vmem>> -> memref<10000xf32, #tpu.memory_space<vmem>>
        %parallel_loop3A_156 = tpu.vector_load_idx %parallel_loop3A_155[%parallel_loop3A_132] : memref<10000xf32, #tpu.memory_space<vmem>>[vector<16xi32>], vector<16xf32>,
        %parallel_loop3A_157 = arith.mulf %parallel_loop3A_153, %parallel_loop3A_156 : vector<16xf32>
        %parallel_loop3A_158 = arith.addf %parallel_loop3A_150, %parallel_loop3A_157 : vector<16xf32>
        %parallel_loop3A_159 = arith.constant 30000 : i32
        %parallel_loop3A_160 = tpu.memref_slice %arg5[%parallel_loop3A_159] : memref<80000xf32, #tpu.memory_space<vmem>> -> memref<10000xf32, #tpu.memory_space<vmem>>
        %parallel_loop3A_161 = tpu.vector_load_idx %parallel_loop3A_160[%parallel_loop3A_129] : memref<10000xf32, #tpu.memory_space<vmem>>[vector<16xi32>], vector<16xf32>,
        %parallel_loop3A_162 = arith.constant 30000 : i32
        %parallel_loop3A_163 = tpu.memref_slice %arg5[%parallel_loop3A_162] : memref<80000xf32, #tpu.memory_space<vmem>> -> memref<10000xf32, #tpu.memory_space<vmem>>
        %parallel_loop3A_164 = tpu.vector_load_idx %parallel_loop3A_163[%parallel_loop3A_132] : memref<10000xf32, #tpu.memory_space<vmem>>[vector<16xi32>], vector<16xf32>,
        %parallel_loop3A_165 = arith.mulf %parallel_loop3A_161, %parallel_loop3A_164 : vector<16xf32>
        %parallel_loop3A_166 = arith.addf %parallel_loop3A_158, %parallel_loop3A_165 : vector<16xf32>
        %parallel_loop3A_167 = arith.constant 40000 : i32
        %parallel_loop3A_168 = tpu.memref_slice %arg5[%parallel_loop3A_167] : memref<80000xf32, #tpu.memory_space<vmem>> -> memref<10000xf32, #tpu.memory_space<vmem>>
        %parallel_loop3A_169 = tpu.vector_load_idx %parallel_loop3A_168[%parallel_loop3A_129] : memref<10000xf32, #tpu.memory_space<vmem>>[vector<16xi32>], vector<16xf32>,
        %parallel_loop3A_170 = arith.constant 40000 : i32
        %parallel_loop3A_171 = tpu.memref_slice %arg5[%parallel_loop3A_170] : memref<80000xf32, #tpu.memory_space<vmem>> -> memref<10000xf32, #tpu.memory_space<vmem>>
        %parallel_loop3A_172 = tpu.vector_load_idx %parallel_loop3A_171[%parallel_loop3A_132] : memref<10000xf32, #tpu.memory_space<vmem>>[vector<16xi32>], vector<16xf32>,
        %parallel_loop3A_173 = arith.mulf %parallel_loop3A_169, %parallel_loop3A_172 : vector<16xf32>
        %parallel_loop3A_174 = arith.addf %parallel_loop3A_166, %parallel_loop3A_173 : vector<16xf32>
        %parallel_loop3A_175 = arith.constant 50000 : i32
        %parallel_loop3A_176 = tpu.memref_slice %arg5[%parallel_loop3A_175] : memref<80000xf32, #tpu.memory_space<vmem>> -> memref<10000xf32, #tpu.memory_space<vmem>>
        %parallel_loop3A_177 = tpu.vector_load_idx %parallel_loop3A_176[%parallel_loop3A_129] : memref<10000xf32, #tpu.memory_space<vmem>>[vector<16xi32>], vector<16xf32>,
        %parallel_loop3A_178 = arith.constant 50000 : i32
        %parallel_loop3A_179 = tpu.memref_slice %arg5[%parallel_loop3A_178] : memref<80000xf32, #tpu.memory_space<vmem>> -> memref<10000xf32, #tpu.memory_space<vmem>>
        %parallel_loop3A_180 = tpu.vector_load_idx %parallel_loop3A_179[%parallel_loop3A_132] : memref<10000xf32, #tpu.memory_space<vmem>>[vector<16xi32>], vector<16xf32>,
        %parallel_loop3A_181 = arith.mulf %parallel_loop3A_177, %parallel_loop3A_180 : vector<16xf32>
        %parallel_loop3A_182 = arith.addf %parallel_loop3A_174, %parallel_loop3A_181 : vector<16xf32>
        %parallel_loop3A_183 = arith.constant 60000 : i32
        %parallel_loop3A_184 = tpu.memref_slice %arg5[%parallel_loop3A_183] : memref<80000xf32, #tpu.memory_space<vmem>> -> memref<10000xf32, #tpu.memory_space<vmem>>
        %parallel_loop3A_185 = tpu.vector_load_idx %parallel_loop3A_184[%parallel_loop3A_129] : memref<10000xf32, #tpu.memory_space<vmem>>[vector<16xi32>], vector<16xf32>,
        %parallel_loop3A_186 = arith.constant 60000 : i32
        %parallel_loop3A_187 = tpu.memref_slice %arg5[%parallel_loop3A_186] : memref<80000xf32, #tpu.memory_space<vmem>> -> memref<10000xf32, #tpu.memory_space<vmem>>
        %parallel_loop3A_188 = tpu.vector_load_idx %parallel_loop3A_187[%parallel_loop3A_132] : memref<10000xf32, #tpu.memory_space<vmem>>[vector<16xi32>], vector<16xf32>,
        %parallel_loop3A_189 = arith.mulf %parallel_loop3A_185, %parallel_loop3A_188 : vector<16xf32>
        %parallel_loop3A_190 = arith.addf %parallel_loop3A_182, %parallel_loop3A_189 : vector<16xf32>
        %parallel_loop3A_191 = arith.constant 70000 : i32
        %parallel_loop3A_192 = tpu.memref_slice %arg5[%parallel_loop3A_191] : memref<80000xf32, #tpu.memory_space<vmem>> -> memref<10000xf32, #tpu.memory_space<vmem>>
        %parallel_loop3A_193 = tpu.vector_load_idx %parallel_loop3A_192[%parallel_loop3A_129] : memref<10000xf32, #tpu.memory_space<vmem>>[vector<16xi32>], vector<16xf32>,
        %parallel_loop3A_194 = arith.constant 70000 : i32
        %parallel_loop3A_195 = tpu.memref_slice %arg5[%parallel_loop3A_194] : memref<80000xf32, #tpu.memory_space<vmem>> -> memref<10000xf32, #tpu.memory_space<vmem>>
        %parallel_loop3A_196 = tpu.vector_load_idx %parallel_loop3A_195[%parallel_loop3A_132] : memref<10000xf32, #tpu.memory_space<vmem>>[vector<16xi32>], vector<16xf32>,
        %parallel_loop3A_197 = arith.mulf %parallel_loop3A_193, %parallel_loop3A_196 : vector<16xf32>
        %parallel_loop3A_198 = arith.addf %parallel_loop3A_190, %parallel_loop3A_197 : vector<16xf32>
        %parallel_loop3A_199 = arith.constant 8 : i32
        %parallel_loop3A_200 = arith.divsi %parallel_loop3A_122, %parallel_loop3A_199 : i32
        %parallel_loop3A_201 = arith.constant 0 : i32
        %parallel_loop3A_202 = arith.cmpi sgt, %parallel_loop3A_122, %parallel_loop3A_201 : i32
        %parallel_loop3A_203 = arith.extui %parallel_loop3A_202 : i1 to i32
        %parallel_loop3A_204 = arith.constant 0 : i32
        %parallel_loop3A_205 = arith.cmpi slt, %parallel_loop3A_122, %parallel_loop3A_204 : i32
        %parallel_loop3A_206 = arith.extui %parallel_loop3A_205 : i1 to i32
        %parallel_loop3A_207 = arith.subi %parallel_loop3A_203, %parallel_loop3A_206 : i32
        %parallel_loop3A_208 = arith.constant 0 : i32
        %parallel_loop3A_209 = arith.cmpi sgt, %parallel_loop3A_199, %parallel_loop3A_208 : i32
        %parallel_loop3A_210 = arith.extui %parallel_loop3A_209 : i1 to i32
        %parallel_loop3A_211 = arith.constant 0 : i32
        %parallel_loop3A_212 = arith.cmpi slt, %parallel_loop3A_199, %parallel_loop3A_211 : i32
        %parallel_loop3A_213 = arith.extui %parallel_loop3A_212 : i1 to i32
        %parallel_loop3A_214 = arith.subi %parallel_loop3A_210, %parallel_loop3A_213 : i32
        %parallel_loop3A_215 = arith.cmpi ne, %parallel_loop3A_207, %parallel_loop3A_214 : i32
        %parallel_loop3A_216 = arith.remsi %parallel_loop3A_122, %parallel_loop3A_199 : i32
        %parallel_loop3A_217 = arith.constant 0 : i32
        %parallel_loop3A_218 = arith.cmpi ne, %parallel_loop3A_216, %parallel_loop3A_217 : i32
        %parallel_loop3A_219 = arith.andi %parallel_loop3A_215, %parallel_loop3A_218 : i1
        %parallel_loop3A_220 = arith.constant 1 : i32
        %parallel_loop3A_221 = arith.subi %parallel_loop3A_200, %parallel_loop3A_220 : i32
        %parallel_loop3A_222 = arith.select %parallel_loop3A_219, %parallel_loop3A_221, %parallel_loop3A_200 : i32
        %parallel_loop3A_223 = arith.constant 8 : i32
        %parallel_loop3A_224 = arith.constant 0 : i32
        %parallel_loop3A_225 = arith.cmpi eq, %parallel_loop3A_223, %parallel_loop3A_224 : i32
        %parallel_loop3A_226 = arith.constant 1 : i32
        %parallel_loop3A_227 = arith.select %parallel_loop3A_225, %parallel_loop3A_226, %parallel_loop3A_223 : i32
        %parallel_loop3A_228 = arith.remsi %parallel_loop3A_122, %parallel_loop3A_227 : i32
        %parallel_loop3A_229 = arith.constant 0 : i32
        %parallel_loop3A_230 = arith.cmpi ne, %parallel_loop3A_228, %parallel_loop3A_229 : i32
        %parallel_loop3A_231 = arith.constant 0 : i32
        %parallel_loop3A_232 = arith.cmpi slt, %parallel_loop3A_228, %parallel_loop3A_231 : i32
        %parallel_loop3A_233 = arith.constant 0 : i32
        %parallel_loop3A_234 = arith.cmpi slt, %parallel_loop3A_227, %parallel_loop3A_233 : i32
        %parallel_loop3A_235 = arith.xori %parallel_loop3A_232, %parallel_loop3A_234 : i1
        %parallel_loop3A_236 = arith.andi %parallel_loop3A_235, %parallel_loop3A_230 : i1
        %parallel_loop3A_237 = arith.addi %parallel_loop3A_228, %parallel_loop3A_227 : i32
        %parallel_loop3A_238 = arith.select %parallel_loop3A_236, %parallel_loop3A_237, %parallel_loop3A_228 : i32
        %parallel_loop3A_239 = arith.constant 16 : i32
        %parallel_loop3A_240 = arith.muli %parallel_loop3A_238, %parallel_loop3A_239 : i32
        %parallel_loop3A_241 = arith.index_cast %parallel_loop3A_222 : i32 to index
        %parallel_loop3A_242 = arith.index_cast %parallel_loop3A_240 : i32 to index
        %parallel_loop3A_243 = tpu.vector_load %arg9[%parallel_loop3A_241, %parallel_loop3A_242] {strides = array<i32>} : memref<32x128xf32, #tpu.memory_space<vmem>>, vector<16xf32>,
        tpu.vector_store %arg9[%parallel_loop3A_241, %parallel_loop3A_242], %parallel_loop3A_198 {strides = array<i32>} : memref<32x128xf32, #tpu.memory_space<vmem>>, vector<16xf32>,
      } {sc.loop_unroll_factor = 3 : i64, sc.parallel_access}
      %dma_start3A_109 = arith.constant 0 : i32
      %dma_start3A_110 = tpu.memref_slice %arg10[%add3A_96, %dma_start3A_109] : memref<80x32xi32, #tpu.memory_space<vmem>> -> memref<1x32xi32, #tpu.memory_space<vmem>>
      %dma_start3A_111 = tpu.memref_squeeze %dma_start3A_110 : memref<1x32xi32, #tpu.memory_space<vmem>> -> memref<32xi32, #tpu.memory_space<vmem>>
      %dma_start3A_112 = arith.constant 0 : i32
      %dma_start3A_113 = arith.constant 0 : i32
      %dma_start3A_114 = tpu.memref_slice %arg11[%dma_start3A_112, %dma_start3A_113] : memref<2560x128xf32, #tpu.memory_space<vmem_shared>> -> memref<2560x128xf32, #tpu.memory_space<vmem_shared>>
      tpu.enqueue_indirect_dma source(%arg9 : memref<32x128xf32, #tpu.memory_space<vmem>>) target(%dma_start3A_114 : memref<2560x128xf32, #tpu.memory_space<vmem_shared>>) offsets(%dma_start3A_111 : memref<32xi32, #tpu.memory_space<vmem>>) semaphore(%arg15 : memref<!tpu.dma_semaphore, #tpu.memory_space<semaphore_mem>>) {add = true}
      %add3A_115 = arith.constant 2 : i32
      %add3A_116 = arith.addi %add3A_96, %add3A_115 : i32
      %lt3A_117 = arith.constant 80 : i32
      %lt3A_118 = arith.cmpi slt, %add3A_116, %lt3A_117 : i32
      %convert_element_type3A_119 = arith.extui %lt3A_118 : i1 to i32
      %cond3A_120 = arith.constant 0 : i32
      %cond3A_121 = arith.cmpi ne, %convert_element_type3A_119, %cond3A_120 : i32
      scf.if %cond3A_121 {
        %add3A_122 = arith.constant 2 : i32
        %add3A_123 = arith.addi %add3A_96, %add3A_122 : i32
        %mul3A_124 = arith.constant 327680 : i32
        %mul3A_125 = arith.muli %arg0, %mul3A_124 : i32
        %mul3A_126 = arith.constant 4096 : i32
        %mul3A_127 = arith.muli %add3A_123, %mul3A_126 : i32
        %add3A_128 = arith.addi %mul3A_125, %mul3A_127 : i32
        %dma_start3A_129 = tpu.memref_slice %arg3[%add3A_128] : memref<655360xi32, #tpu.memory_space<hbm>> -> memref<4096xi32, #tpu.memory_space<hbm>>
        %dma_start3A_130 = tpu.memref_slice %arg3[%add3A_128] : memref<655360xi32, #tpu.memory_space<hbm>> -> memref<4096xi32, #tpu.memory_space<hbm>>
        tpu.enqueue_dma source(%dma_start3A_130 : memref<4096xi32, #tpu.memory_space<hbm>>) target(%arg7 : memref<4096xi32, #tpu.memory_space<vmem>>) target_semaphore(%arg13 : memref<!tpu.dma_semaphore, #tpu.memory_space<semaphore_mem>>)
      } else {
      }
    }
    %scan3A_49 = arith.constant 40 : i32
    %dma_wait3A = arith.constant 0 : i32
    %dma_wait3A_50 = arith.constant 0 : i32
    %dma_wait3A_51 = tpu.memref_slice %arg10[%dma_wait3A, %dma_wait3A_50] : memref<80x32xi32, #tpu.memory_space<vmem>> -> memref<1x32xi32, #tpu.memory_space<vmem>>
    %dma_wait3A_52 = tpu.memref_squeeze %dma_wait3A_51 : memref<1x32xi32, #tpu.memory_space<vmem>> -> memref<32xi32, #tpu.memory_space<vmem>>
    %dma_wait3A_53 = arith.constant 0 : i32
    %dma_wait3A_54 = arith.constant 0 : i32
    %dma_wait3A_55 = tpu.memref_slice %arg11[%dma_wait3A_53, %dma_wait3A_54] : memref<2560x128xf32, #tpu.memory_space<vmem_shared>> -> memref<2560x128xf32, #tpu.memory_space<vmem_shared>>
    tpu.wait_indirect_dma semaphore(%arg14 : memref<!tpu.dma_semaphore, #tpu.memory_space<semaphore_mem>>) src(%arg8 : memref<32x128xf32, #tpu.memory_space<vmem>>) dst(%dma_wait3A_55 : memref<2560x128xf32, #tpu.memory_space<vmem_shared>>)
    %dma_wait3A_56 = arith.constant 0 : i32
    %dma_wait3A_57 = arith.constant 0 : i32
    %dma_wait3A_58 = tpu.memref_slice %arg10[%dma_wait3A_56, %dma_wait3A_57] : memref<80x32xi32, #tpu.memory_space<vmem>> -> memref<1x32xi32, #tpu.memory_space<vmem>>
    %dma_wait3A_59 = tpu.memref_squeeze %dma_wait3A_58 : memref<1x32xi32, #tpu.memory_space<vmem>> -> memref<32xi32, #tpu.memory_space<vmem>>
    %dma_wait3A_60 = arith.constant 0 : i32
    %dma_wait3A_61 = arith.constant 0 : i32
    %dma_wait3A_62 = tpu.memref_slice %arg11[%dma_wait3A_60, %dma_wait3A_61] : memref<2560x128xf32, #tpu.memory_space<vmem_shared>> -> memref<2560x128xf32, #tpu.memory_space<vmem_shared>>
    tpu.wait_indirect_dma semaphore(%arg15 : memref<!tpu.dma_semaphore, #tpu.memory_space<semaphore_mem>>) src(%arg9 : memref<32x128xf32, #tpu.memory_space<vmem>>) dst(%dma_wait3A_62 : memref<2560x128xf32, #tpu.memory_space<vmem_shared>>)
    %barrier3A_63 = arith.constant 0 : index
    tpu.barrier barrier_id(%barrier3A_63)
    %mul3A_64 = arith.constant 160 : i32
    %mul3A_65 = arith.muli %arg1, %mul3A_64 : i32
    %mul3A_66 = arith.constant 160 : i32
    %mul3A_67 = arith.muli %arg1, %mul3A_66 : i32
    "tpu.region"() ({
      %run_scoped3A = tpu.sem_alloc : memref<!tpu.dma_semaphore, #tpu.memory_space<semaphore_mem>>
      %dma_start3A_68 = arith.constant 0 : i32
      %dma_start3A_69 = tpu.memref_slice %arg4[%arg0, %mul3A_67, %dma_start3A_68] : memref<2x2560x128xf32, #tpu.memory_space<hbm>> -> memref<1x160x128xf32, #tpu.memory_space<hbm>>
      %dma_start3A_70 = tpu.memref_squeeze %dma_start3A_69 : memref<1x160x128xf32, #tpu.memory_space<hbm>> -> memref<160x128xf32, #tpu.memory_space<hbm>>
      %dma_start3A_71 = arith.constant 0 : i32
      %dma_start3A_72 = tpu.memref_slice %arg11[%mul3A_65, %dma_start3A_71] : memref<2560x128xf32, #tpu.memory_space<vmem_shared>> -> memref<160x128xf32, #tpu.memory_space<vmem_shared>>
      tpu.enqueue_dma source(%dma_start3A_72 : memref<160x128xf32, #tpu.memory_space<vmem_shared>>) target(%dma_start3A_70 : memref<160x128xf32, #tpu.memory_space<hbm>>) target_semaphore(%run_scoped3A : memref<!tpu.dma_semaphore, #tpu.memory_space<semaphore_mem>>)
      %dma_wait3A_73 = arith.constant 0 : i32
      %dma_wait3A_74 = tpu.memref_slice %arg4[%arg0, %mul3A_67, %dma_wait3A_73] : memref<2x2560x128xf32, #tpu.memory_space<hbm>> -> memref<1x160x128xf32, #tpu.memory_space<hbm>>
      %dma_wait3A_75 = tpu.memref_squeeze %dma_wait3A_74 : memref<1x160x128xf32, #tpu.memory_space<hbm>> -> memref<160x128xf32, #tpu.memory_space<hbm>>
      %dma_wait3A_76 = arith.constant 0 : i32
      %dma_wait3A_77 = tpu.memref_slice %arg11[%mul3A_65, %dma_wait3A_76] : memref<2560x128xf32, #tpu.memory_space<vmem_shared>> -> memref<160x128xf32, #tpu.memory_space<vmem_shared>>
      tpu.wait_dma2 semaphore(%run_scoped3A : memref<!tpu.dma_semaphore, #tpu.memory_space<semaphore_mem>>) src(%dma_wait3A_77 : memref<160x128xf32, #tpu.memory_space<vmem_shared>>) dst(%dma_wait3A_75 : memref<160x128xf32, #tpu.memory_space<hbm>>)
      tpu.yield
    }) : () -> ()
    return
  }
}

</mosaic_0001>

<sc_bundles>
// kernel: _sc_scores.3.cloned.1.call-start
scs
__scs_entry_jumppad:
0x0: {  	(pc) =	sbr.rel $0x88, $3  }
0x1: {  	(tag) =	ssettag $0x0;
	lr =	simm.s32 $0x1  }
0x2: {  	[smem:$0x3F9F] =	sst lr;
	_ =	strace $0xD0000000  }
0x3: {  	_ = 	snop  }
0x4: {  	_ = 	snop  }
0x5: {  	_ = 	snop  }
0x6: {  	_ = 	snop  }
0x7: {  	_ = 	snop  }
__scs_overlays_trampoline_lowered:
0x8: {  	[smem:$0x3FAE] =	sst s0  }
0x9: {  	[smem:$0x3FAF] =	sst s1  }
0xa: {  	[smem:$0x3FB0] =	sst s2  }
0xb: {  	[smem:$0x3FB1] =	sst s3  }
0xc: {  	[smem:$0x3FB2] =	sst s4  }
0xd: {  	[smem:$0x3FB3] =	sst s5  }
0xe: {  	[smem:$0x3FB4] =	sst s6  }
0xf: {  	[smem:$0x3FB5] =	sst s7  }
0x10: {  	[smem:$0x3FB6] =	sst s8  }
0x11: {  	[smem:$0x3FB7] =	sst s9;
	s0 =	simm.s32 @!p0 $0x0  }
0x12: {  	s1 =	sld [smem:$0x3F9D];
	s0 =	simm.s32 @p0 $0x1  }
0x13: {  	[smem:$0x3FB8] =	sst s0;
	s0 =	simm.s32 @!p1 $0x0  }
0x14: {  	s2 =	sld [smem:$0x3F9C];
	s0 =	simm.s32 @p1 $0x1  }
0x15: {  	[smem:$0x3FB9] =	sst s0;
	s0 =	simm.s32 @!p2 $0x0  }
0x16: {  	s3 =	sld [smem:$0x3FDB];
	s0 =	simm.s32 @p2 $0x1  }
0x17: {  	s4 =	simm.s32 $0x1BF5;
	[smem:$0x3FBB] =	sst s0  }
0x18: {  	s0 =	sld [smem:$0x3F9E];
	_ =	swait.ge [sflag:s4], $0x0  }
0x19: {  	s7 =	sld [smem:$0x3F9F]  }
0x1a: {  	s8 =	sadd.s32 $0xFFFFE003, lr  }
0x1b: {  	s9 =	sadd.s32 $0xFFFFFEF7, lr;
	s5 =	simm.s32 $0xFFFFFFFF;
	p2 =	slt.u32 s8, $0xFFFFF086  }
0x1c: {  	p1 =	slt.u32 s9, $0xF7A;
	s5 =	simm.s32 @!p2 $0x0  }
0x1d: {  	s5 =	simm.s32 @p1 $0x1;
	p0 =	seq.s32 s7, s2  }
0x1e: {  	s7 =	smul.u32 @!p0 $0xF7A, s2;
	p2 =	seq.s32 @!p0 s5, $0x0  }
0x1f: {  	s9 =	smul.u32 $0xF7A, s1;
	s8 =	simm.s32 @!p0 $0x1BF5;
	p2 =	por !p2, p0  }
0x20: {  	[sflag:s8] =	ssyncset.s32 @!p0 $0xFFFFF086;
	s6 =	sadd.s32 @!p0 s3, s7;
	s7 =	simm.s32 @!p0 $0x108  }
0x21: {  	s3 =	sadd.s32 s3, s9;
	s6 =	sadd.s32 @!p0 $0x88, s6;
	s7 =	simm.s32 @p2 $0x1082  }
0x22: {  	[simem:s7], [sflag:s8] =	dma.local @!p0 [hbm:s6], $0xF7A  }
0x23: {  	s9 =	sor.u32 $0xD0000000, s2;
	s6 =	simm.s32 $0x108;
	_ =	swait.ge @!p0 [sflag:s8], $0x0  }
0x24: {  	s3 =	sadd.s32 $0x88, s3;
	s6 =	simm.s32 @!p1 $0x1082;
	[sflag:s4] =	ssyncset.s32 $0xFFFFF086  }
0x25: {  	[simem:s6], [sflag:s4] =	dma.local [hbm:s3], $0xF7A  }
0x26: {  	[smem:$0x3F9F] =	sst s1;
	(tag) =	ssettag s2;
	_ =	strace s9  }
0x27: {  	s1 =	sld [smem:$0x3FAF]  }
0x28: {  	s2 =	sld [smem:$0x3FB0]  }
0x29: {  	s4 =	sld [smem:$0x3FB2]  }
0x2a: {  	p0 =	seq.s32 s5, $0x0;
	s5 =	sld [smem:$0x3FB3]  }
0x2b: {  	s6 =	sld [smem:$0x3FB4]  }
0x2c: {  	s7 =	sld [smem:$0x3FB5]  }
0x2d: {  	s3 =	simm.s32 $0x108;
	s8 =	sld [smem:$0x3FB6]  }
0x2e: {  	s3 =	simm.s32 @!p0 $0x1082;
	s9 =	sld [smem:$0x3FB7]  }
0x2f: {  	lr =	sadd.s32 s0, s3;
	s0 =	sld [smem:$0x3FAE]  }
0x30: {  	s3 =	sld [smem:$0x3FB1]  }
0x31: {  	[smem:$0x3FBA] =	sst s10  }
0x32: {  	s10 =	sld [smem:$0x3FB8];
	_ =	sdelay $0x3  }
0x33: {  	p0 =	seq.s32 s10, $0x1;
	s10 =	sld [smem:$0x3FBA];
	_ =	sdelay $0x3  }
0x34: {  	[smem:$0x3FBA] =	sst s10  }
0x35: {  	s10 =	sld [smem:$0x3FB9];
	_ =	sdelay $0x3  }
0x36: {  	p1 =	seq.s32 s10, $0x1;
	s10 =	sld [smem:$0x3FBA];
	_ =	sdelay $0x3  }
0x37: {  	[smem:$0x3FBA] =	sst s10  }
0x38: {  	s10 =	sld [smem:$0x3FBB]  }
0x39: {  	_ = 	snop;
	(pc) =	sbr.ind lr, $3  }
0x3a: {  	_ = 	snop  }
0x3b: {  	_ = 	snop  }
0x3c: {  	p2 =	seq.s32 s10, $0x1;
	s10 =	sld [smem:$0x3FBA]  }
0x3d: {  	_ =	shalt  }
0x3e: {  	_ =	shalt  }
0x3f: {  	_ =	shalt  }
0x40: {  	_ =	shalt  }
0x41: {  	_ =	shalt  }
0x42: {  	_ =	shalt  }
0x43: {  	_ =	shalt  }
0x44: {  	_ =	shalt  }
0x45: {  	_ =	shalt  }
0x46: {  	_ =	shalt  }
0x47: {  	_ =	shalt  }
0x48: {  	_ =	shalt  }
0x49: {  	_ =	shalt  }
0x4a: {  	_ =	shalt  }
0x4b: {  	_ =	shalt  }
0x4c: {  	_ =	shalt  }
0x4d: {  	_ =	shalt  }
0x4e: {  	_ =	shalt  }
0x4f: {  	_ =	shalt  }
0x50: {  	_ =	shalt  }
0x51: {  	_ =	shalt  }
0x52: {  	_ =	shalt  }
0x53: {  	_ =	shalt  }
0x54: {  	_ =	shalt  }
0x55: {  	_ =	shalt  }
0x56: {  	_ =	shalt  }
0x57: {  	_ =	shalt  }
0x58: {  	_ =	shalt  }
0x59: {  	_ =	shalt  }
0x5a: {  	_ =	shalt  }
0x5b: {  	_ =	shalt  }
0x5c: {  	_ =	shalt  }
0x5d: {  	_ =	shalt  }
0x5e: {  	_ =	shalt  }
0x5f: {  	_ =	shalt  }
0x60: {  	_ =	shalt  }
0x61: {  	_ =	shalt  }
0x62: {  	_ =	shalt  }
0x63: {  	_ =	shalt  }
0x64: {  	_ =	shalt  }
0x65: {  	_ =	shalt  }
0x66: {  	_ =	shalt  }
0x67: {  	_ =	shalt  }
0x68: {  	_ =	shalt  }
0x69: {  	_ =	shalt  }
0x6a: {  	_ =	shalt  }
0x6b: {  	_ =	shalt  }
0x6c: {  	_ =	shalt  }
0x6d: {  	_ =	shalt  }
0x6e: {  	_ =	shalt  }
0x6f: {  	_ =	shalt  }
0x70: {  	_ =	shalt  }
0x71: {  	_ =	shalt  }
0x72: {  	_ =	shalt  }
0x73: {  	_ =	shalt  }
0x74: {  	_ =	shalt  }
0x75: {  	_ =	shalt  }
0x76: {  	_ =	shalt  }
0x77: {  	_ =	shalt  }
0x78: {  	_ =	shalt  }
0x79: {  	_ =	shalt  }
0x7a: {  	_ =	shalt  }
0x7b: {  	_ =	shalt  }
0x7c: {  	_ =	shalt  }
0x7d: {  	_ =	shalt  }
0x7e: {  	_ =	shalt  }
0x7f: {  	_ =	shalt  }
0x80: {  	_ =	shalt  }
0x81: {  	_ =	shalt  }
0x82: {  	_ =	shalt  }
0x83: {  	_ =	shalt  }
0x84: {  	_ =	shalt  }
0x85: {  	_ =	shalt  }
0x86: {  	_ =	shalt  }
0x87: {  	_ =	shalt  }
.Lfunc_end0:
.L_simem_size_0:
called_computation_lowered:
.L_overlay_start_0:
0x88: {  	s2 =	sld [smem:$0x3FD9]  }
0x89: {  	s3 =	sld [smem:$0x3FFE];
	_ =	sdelay $0x1  }
0x8a: {  	s1 =	srdreg.scid  }
0x8b: {  	s0 =	sand.u32 $0x1, s1  }
0x8c: {  	s18 =	sshll.u32 s0, $0xA;
	s2 =	sadd.s32 s3, s2  }
0x8d: {  	s2 =	sadd.s32 s2, s18  }
0x8e: {  	[smem:$0x3FC6] =	sst s2  }
0x8f: {  	_ = 	snop  }
0x90: {  	s2 =	sld [smem:$0x3FC9]  }
0x91: {  	s19 =	sld [smem:$0x3FC8]  }
0x92: {  	s4 =	sld [smem:$0x3FD0];
	(tm) =	ssettm $0x1  }
0x93: {  	s5 =	sld [smem:$0x3FFB];
	_ =	sdelay $0x3  }
0x94: {  	_ =	strace s5  }
0x95: {  	s5 =	sld [smem:$0x3FFC];
	_ =	sdelay $0x3  }
0x96: {  	_ =	strace s5  }
0x97: {  	s5 =	sld [smem:$0x3FFD];
	_ =	sdelay $0x3  }
0x98: {  	_ =	strace s5  }
0x99: {  	_ =	strace $0x8FFFFFFF  }
0x9a: {  	s20 =	sld [smem:$0x3FDB];
	_ =	sdelay $0x1  }
0x9b: {  	s6 =	simm.s32 $_scs_section_size  }
0x9c: {  	s7 =	simm.s32 $_size__tile_overlayer_lowered;
	s8 =	simm.s32 $_tile_overlayer_lowered  }
0x9d: {  	s23 =	simm.s32 $0x1BFF;
	s22 =	sshll.u32 s8, $0x1;
	s5 =	sadd.s32 s6, s20  }
0x9e: {  	s9 =	simm.s32 $0x0;
	s21 =	sshll.u32 s7, $0x1;
	s7 =	sadd.s32 s22, s5  }
0x9f: {  	[timem:s9], [sflag:s23] =	dma.local [hbm:s7], s21  }
0xa0: {  	_ =	swait.ge [sflag:s23], s21  }
0xa1: {  	s6 =	ssub.s32 $0x0, s21;
	[sflag:s23] =	ssyncset.done $0x0  }
0xa2: {  	[sflag:s23] =	ssyncadd.s32 s6;
	_ =	sdelay $0x1  }
0xa3: {  	s24 =	simm.s32 $0x1B8B  }
0xa4: {  	_ =	swait.ge [sflag:s24], $0x1  }
0xa5: {  	[sflag:s24] =	ssyncset.done $0x0  }
0xa6: {  	s25 =	simm.s32 $0x1B8E;
	[sflag:s24] =	ssyncadd.s32 $0xFFFFFFFF  }
0xa7: {  	s26 =	simm.s32 $execute0_lowered;
	[smem:$0x3FD2] =	sst s25  }
0xa8: {  	s6 =	sshll.u32 s26, $0x1;
	_ =	strace $0x80000046;
	[dreg:$0x1] =	wrdreg $0xFFFFFFFF  }
0xa9: {  	s28 =	simm.s32 $_size_execute0_lowered;
	s5 =	sadd.s32 s5, s6;
	[dreg:$0x0] =	wrdreg $0x0  }
0xaa: {  	s6 =	sshll.u32 s28, $0x1;
	[dreg:$0x2] =	wrdreg s5  }
0xab: {  	[dreg:$0x3] =	wrdreg s6  }
0xac: {  	[dreg:$0x4] =	wrdreg $0xC0  }
0xad: {  	_ =	task [dreg:s9], $0x5FFFF  }
0xae: {  	[dreg:$0x1] =	wrdreg $0xFFFFFFFF  }
0xaf: {  	[dreg:$0x0] =	wrdreg $0x60  }
0xb0: {  	[dreg:$0x2] =	wrdreg s2  }
0xb1: {  	[dreg:$0x3] =	wrdreg s19  }
0xb2: {  	[dreg:$0x4] =	wrdreg s4  }
0xb3: {  	[dreg:$0x5] =	wrdreg $0x1A0800  }
0xb4: {  	[dreg:$0x6] =	wrdreg $0x9  }
0xb5: {  	_ =	task.clear_ibuf [dreg:s9], $0x7FFFF;
	_ =	strace $0x90000046  }
0xb6: {  	s29 =	simm.s32 $0x9;
	_ =	strace $0x80000048  }
0xb7: {  	_ =	swait.ge [sflag:s29], $0x1  }
0xb8: {  	[sflag:s29] =	ssyncadd.s32 $0xFFFFFFFF  }
0xb9: {  	_ =	strace $0x90000048  }
0xba: {  	_ =	sfence  }
0xbb: {  	s30 =	sld [smem:$0x0];
	_ =	sdelay $0x2  }
0xbc: {  	s31 =	sshll.u32 s1, $0xD;
	s1 =	sshrl.u32 s1, $0x2  }
0xbd: {  	s3 =	sand.u32 $0x4000, s31;
	s1 =	sadd.s32 s1, s30  }
0xbe: {  	s0 =	sor.u32 s3, s0;
	s1 =	sshll.u32 s1, $0x11  }
0xbf: {  	s0 =	sor.u32 s1, s0  }
0xc0: {  	s0 =	sadd.s32 $0x8F2B, s0  }
0xc1: {  	[sflag:s0] =	ssyncadd.remote.s32 $0x1  }
0xc2: {  	_ =	sfence.sel $0xFFFF  }
0xc3: {  	[dreg:$0x0] =	wrdreg $0xFFFFFFFF;
	(pc) =	sbr.abs _section_cstart, $3  }
0xc4: {  	[dreg:$0x1] =	wrdreg $0xFFFFFFFF  }
0xc5: {  	_ =	task.clear_ibuf [dreg:s9], $0x2FFFF;
	_ =	strace $0x9FFFFFFF  }
0xc6: {  	(tm) =	ssettm $0x7FFFFFFF  }
0xc7: {  	_ =	shalt  }
tec
execute0_lowered:
.L_overlay_start_1:
0x0: {  	(tag) =	ssettag $0x1  }
0x1: {  	s0 =	rddreg [dreg:$0x0]  }
0x2: {  	s1 =	rddreg [dreg:$0x1]  }
0x3: {  	s2 =	rddreg [dreg:$0x2]  }
0x4: {  	s3 =	rddreg [dreg:$0x3];
	s4 =	simm.s32 $0x0;
	s5 =	srdreg.scid  }
0x5: {  	s10 =	stileid.u32;
	s18 =	simm.s32 $0x15880;
	s20 =	simm.s32 $0x14880  }
0x6: {  	s28 =	simm.s32 $0xEA60;
	s29 =	simm.s32 $0x11170;
	s6 =	smul.u32 $0x14000, s10  }
0x7: {  	s30 =	simm.s32 $0x20;
	s31 =	simm.s32 $0x2;
	s9 =	smul.u32 $0x2710, s10  }
0x8: {  	[smem:$0x7FF] =	sst s4;
	s5 =	sand.u32 $0x1, s5;
	s22 =	smul.u32 $0x5000, s10  }
0x9: {  	_ =	strace $0x80000047;
	s7 =	ssub.s32 $0x2, s5;
	s5 =	smul.u32 $0x50000, s5  }
0xa: {  	s8 =	sshrl.u32 s7, $0x1;
	s6 =	sshrl.u32 s6, $0x2;
	s0 =	sadd.s32 s0, s9  }
0xb: {  	s9 =	simm.s32 $0x5;
	s7 =	ssub.s32 s7, s8;
	s11 =	sadd.s32 s6, s3  }
0xc: {  	[dreg:$0x6] =	wrdreg s0;
	s24 =	sshrl.u32 s5, $0x3;
	s0 =	sadd.s32 s22, s5  }
0xd: {  	s13 =	sor.u32 $0x2000, s5;
	s21 =	sadd.s32 $0x1000, s11;
	[dreg:$0x5] =	wrdreg s11  }
0xe: {  	s14 =	sor.u32 $0x3000, s5;
	s6 =	sadd.s32 $0x2000, s11;
	[dreg:$0x7] =	wrdreg s21  }
0xf: {  	s22 =	simm.s32 $0x2710;
	s23 =	sadd.s32 $0x3000, s11;
	[dreg:$0x8] =	wrdreg s6  }
0x10: {  	s25 =	sadd.s32 $0x4000, s11;
	s0 =	sshrl.u32 s0, $0x3;
	[dreg:$0x9] =	wrdreg s23  }
0x11: {  	s26 =	smax.u32 s7, $0x1;
	[dreg:$0xa] =	wrdreg s25;
	s6 =	sadd.s32 s1, s24  }
.Ltmp0:
0x12: {  	s0 =	sadd.s32 s2, s0;
	[dreg:$0xe] =	wrdreg s26;
	(pc) =	sbr.rel .LBB2_1-.Ltmp0, $4  }
0x13: {  	s21 =	simm.s32 $0x1;
	s23 =	simm.s32 $0x4E20;
	s24 =	simm.s32 $0x7530  }
0x14: {  	s25 =	simm.s32 $0x9C40;
	s26 =	simm.s32 $0xC350;
	[dreg:$0xb] =	wrdreg s6  }
0x15: {  	v0 =	vlaneseq.u32;
	s2 =	simm.s32 $0x16880;
	s6 =	sadd.s32 $0x200, s6;
	[dreg:$0xd] =	wrdreg s0  }
0x16: {  	v2 =	vimm.f32 $0.0e+00;
	v1 =	vor.u32 $0x10, v0;
	s0 =	simm.s32 $0x4;
	[dreg:$0xc] =	wrdreg s6;
	s6 =	simm.s32 $0x0  }
.LBB2_16:
0x17: {  	s5 =	simm.s32 $0x3  }
0x18: {  	_ =	swait.ge [sflag:s5], $0x1000  }
0x19: {  	[sflag:s5] =	ssyncset.done $0x0  }
0x1a: {  	[sflag:s5] =	ssyncadd.s32 $0xFFFFF000  }
0x1b: {  	_ =	swait.ge [sflag:s0], $0x1000  }
0x1c: {  	[sflag:s0] =	ssyncset.done $0x0  }
0x1d: {  	[sflag:s0] =	ssyncadd.s32 $0xFFFFF000  }
0x1e: {  	s16 =	stileid.u32;
	[bflag:$0x0] =	sbarrier.arrive $0xFFFF  }
0x1f: {  	s9 =	simm.s32 $0x5;
	s5 =	sshll.u32 s16, $0x6;
	s11 =	rddreg [dreg:$0x5]  }
0x20: {  	s5 =	sor.u32 $0x1C05, s5;
	s7 =	rddreg [dreg:$0xd];
	s6 =	sshrl.u32 s11, $0x3  }
0x21: {  	[hbm:s7], [sflag:s5] =	dma.local [spmem:s6], $0xA00  }
0x22: {  	_ =	swait.ge [sflag:s9], $0xA00  }
0x23: {  	s17 =	rddreg [dreg:$0xf]  }
0x24: {  	s19 =	rddreg [dreg:$0xe];
	s6 =	sadd.s32 $0x1, s17  }
0x25: {  	p0 =	sne.s32 s6, s19  }
.Ltmp1:
0x26: {  	_ = 	snop;
	(pc) =	sbr.rel @!p0 .LBB2_17-.Ltmp1, $3  }
0x27: {  	_ =	sdelay $0x1  }
0x28: {  	[sflag:s9] =	ssyncset.done $0x0  }
0x29: {  	[sflag:s9] =	ssyncadd.s32 $0xFFFFF600  }
.LBB2_1:
0x2a: {  	[dreg:$0xf] =	wrdreg s6  }
0x2b: {  	s5 =	rddreg [dreg:$0x6]  }
0x2c: {  	[tilespmem:s4], [sflag:$0x5] =	stream.linear.gather [hbm4b:s5+s4], $0x13880, $0x38;
	[tilespmem:$0x1F080] =	vst v63  }
0x2d: {  	_ =	swait.ge [sflag:s9], $0x13880  }
0x2e: {  	[sflag:s9] =	ssyncset.done $0x0  }
0x2f: {  	s6 =	simm.s32 $0x0;
	s5 =	simm.s32 $0x17890;
	[sflag:s9] =	ssyncadd.s32 $0xFFFEC780  }
.LBB2_2:
0x30: {  	p0 =	sne.s32 s6, $0x9E0  }
.Ltmp2:
0x31: {  	_ = 	snop;
	(pc) =	sbr.rel @p0 .LBB2_2-.Ltmp2, $4  }
0x32: {  	_ = 	snop  }
0x33: {  	v3 =	vor.u32 s6, v0  }
0x34: {  	[tilespmem:s5+$0xFFFFFFF0] =	vst v3;
	v3 =	vor.u32 s6, v1  }
0x35: {  	s6 =	sadd.s32 $0x20, s6;
	[tilespmem:s5+$0x0] =	vst v3;
	s5 =	sadd.s32 $0x80, s5  }
0x36: {  	s5 =	simm.s32 $0x0  }
0x37: {  	s6 =	sand.u32 $0x3E00, s5  }
0x38: {  	s7 =	sand.u32 $0x70, s5;
	s8 =	sshrl.u32 s6, $0x2  }
0x39: {  	s6 =	simm.s32 $0x40;
	s7 =	sor.u32 s7, s8  }
.LBB2_4:
0x3a: {  	p0 =	sne.s32 s6, $0x3FC0  }
0x3b: {  	[tilespmem:s7+$0x15880] =	vst v2;
	s5 =	sadd.s32 $0x10, s5;
	s7 =	smov.u32 s6;
	s6 =	sadd.s32 $0x40, s6  }
.Ltmp3:
0x3c: {  	(pc) =	sbr.rel @p0 .LBB2_4-.Ltmp3, $4  }
0x3d: {  	_ = 	snop  }
0x3e: {  	s7 =	sand.u32 $0x3E00, s7  }
0x3f: {  	s8 =	sand.u32 $0x70, s5;
	s7 =	sshrl.u32 s7, $0x2  }
0x40: {  	s7 =	sor.u32 s8, s7  }
0x41: {  	[tilespmem:s7+$0x15880] =	vst v2  }
0x42: {  	[spmem:s11] =	stream.linear.scatter [tilespmem:s18], [sflag:$0x5], $0x1000, $0x38;
	[tilespmem:$0x1F080] =	vst v63  }
0x43: {  	_ =	swait.ge [sflag:s9], $0x1000  }
0x44: {  	[sflag:s9] =	ssyncset.done $0x0  }
0x45: {  	s5 =	rddreg [dreg:$0x7];
	[sflag:s9] =	ssyncadd.s32 $0xFFFFF000  }
0x46: {  	[spmem:s5] =	stream.linear.scatter [tilespmem:s18], [sflag:$0x5], $0x1000, $0x38;
	[tilespmem:$0x1F080] =	vst v63  }
0x47: {  	_ =	swait.ge [sflag:s9], $0x1000  }
0x48: {  	[sflag:s9] =	ssyncset.done $0x0  }
0x49: {  	s12 =	rddreg [dreg:$0x8];
	[sflag:s9] =	ssyncadd.s32 $0xFFFFF000  }
0x4a: {  	[spmem:s12] =	stream.linear.scatter [tilespmem:s18], [sflag:$0x5], $0x1000, $0x38;
	[tilespmem:$0x1F080] =	vst v63  }
0x4b: {  	_ =	swait.ge [sflag:s9], $0x1000  }
0x4c: {  	[sflag:s9] =	ssyncset.done $0x0  }
0x4d: {  	s15 =	rddreg [dreg:$0x9];
	[sflag:s9] =	ssyncadd.s32 $0xFFFFF000  }
0x4e: {  	[spmem:s15] =	stream.linear.scatter [tilespmem:s18], [sflag:$0x5], $0x1000, $0x38;
	[tilespmem:$0x1F080] =	vst v63  }
0x4f: {  	_ =	swait.ge [sflag:s9], $0x1000  }
0x50: {  	[sflag:s9] =	ssyncset.done $0x0  }
0x51: {  	s16 =	rddreg [dreg:$0xa];
	[sflag:s9] =	ssyncadd.s32 $0xFFFFF000  }
0x52: {  	[spmem:s16] =	stream.linear.scatter [tilespmem:s18], [sflag:$0x5], $0x1000, $0x38;
	[tilespmem:$0x1F080] =	vst v63  }
0x53: {  	_ =	swait.ge [sflag:s9], $0x1000  }
0x54: {  	[sflag:s9] =	ssyncset.done $0x0  }
0x55: {  	[sflag:s9] =	ssyncadd.s32 $0xFFFFF000  }
0x56: {  	[bflag:$0x0] =	sbarrier.arrive $0xFFFF  }
0x57: {  	s8 =	simm.s32 $0x0;
	s6 =	simm.s32 $0x13880;
	s17 =	rddreg [dreg:$0xb]  }
0x58: {  	[tilespmem:s6], [sflag:$0x1] =	stream.linear.gather [hbm4b:s17+s8], $0x1000, $0x38;
	[tilespmem:$0x1F080] =	vst v63  }
0x59: {  	s19 =	rddreg [dreg:$0xc]  }
0x5a: {  	[tilespmem:s20], [sflag:$0x2] =	stream.linear.gather [hbm4b:s19+s8], $0x1000, $0x38;
	[tilespmem:$0x1F080] =	vst v63  }
.LBB2_6:
0x5b: {  	_ =	swait.ge [sflag:s21], $0x1000  }
0x5c: {  	p0 =	seq.s32 s8, $0x0;
	[sflag:s21] =	ssyncset.done $0x0  }
0x5d: {  	s5 =	simm.s32 @!p0 $0x3;
	[sflag:s21] =	ssyncadd.s32 $0xFFFFF000  }
0x5e: {  	_ =	swait.ge @!p0 [sflag:s5], $0x1000  }
0x5f: {  	[sflag:s5] =	ssyncset.done @!p0 $0x0  }
0x60: {  	s15 =	simm.s32 $0x20;
	[sflag:s5] =	ssyncadd.s32 @!p0 $0xFFFFF000  }
0x61: {  	v3 =	vld [tilespmem:s15+$0x13880];
	_ =	sdelay $0x4  }
0x62: {  	v7 =	vshrl.u32 v3, $0xE  }
0x63: {  	v8 =	vand.u32 $0x3FFF, v3;
	_ =	sdelay $0x1  }
0x64: {  	v9 =	vld [tilespmem:s15+$0x13870]  }
0x65: {  	v3 =	vld [tilespmem:s15+$0x13860]  }
0x66: {  	v10 =	vld.idx.msk [tilespmem:v7+s4+$0x0], $0xffff  }
0x67: {  	v11 =	vld.idx.msk [tilespmem:v8+s4+$0x0], $0xffff  }
0x68: {  	v12 =	vld.idx.msk [tilespmem:v7+s22+$0x0], $0xffff  }
0x69: {  	v13 =	vld.idx.msk [tilespmem:v8+s22+$0x0], $0xffff  }
0x6a: {  	v14 =	vld.idx.msk [tilespmem:v7+s23+$0x0], $0xffff  }
0x6b: {  	v15 =	vld.idx.msk [tilespmem:v8+s23+$0x0], $0xffff  }
0x6c: {  	v16 =	vld.idx.msk [tilespmem:v7+s24+$0x0], $0xffff  }
0x6d: {  	v17 =	vld.idx.msk [tilespmem:v8+s24+$0x0], $0xffff  }
0x6e: {  	v18 =	vld.idx.msk [tilespmem:v7+s25+$0x0], $0xffff  }
0x6f: {  	v19 =	vld.idx.msk [tilespmem:v8+s25+$0x0], $0xffff  }
0x70: {  	v20 =	vld.idx.msk [tilespmem:v7+s26+$0x0], $0xffff  }
0x71: {  	v5 =	vshrl.u32 v9, $0xE;
	v21 =	vld.idx.msk [tilespmem:v8+s26+$0x0], $0xffff  }
0x72: {  	v22 =	vld.idx.msk [tilespmem:v7+s28+$0x0], $0xffff  }
0x73: {  	v23 =	vld.idx.msk [tilespmem:v8+s28+$0x0], $0xffff  }
0x74: {  	v4 =	vshrl.u32 v3, $0xE;
	v7 =	vld.idx.msk [tilespmem:v7+s29+$0x0], $0xffff  }
0x75: {  	v6 =	vand.u32 $0x3FFF, v3;
	v8 =	vld.idx.msk [tilespmem:v8+s29+$0x0], $0xffff  }
0x76: {  	v3 =	vand.u32 $0x3FFF, v9;
	v25 =	vld.idx.msk [tilespmem:v5+s4+$0x0], $0xffff  }
0x77: {  	v27 =	vld.idx.msk [tilespmem:v5+s22+$0x0], $0xffff  }
0x78: {  	v60 =	vld.idx.msk [tilespmem:v5+s24+$0x0], $0xffff  }
0x79: {  	v9 =	vld.idx.msk [tilespmem:v4+s4+$0x0], $0xffff;
	v10 =	vmul.f32 v11, v10  }
0x7a: {  	v24 =	vld.idx.msk [tilespmem:v6+s4+$0x0], $0xffff  }
0x7b: {  	v11 =	vld.idx.msk [tilespmem:v3+s4+$0x0], $0xffff;
	v12 =	vmul.f32 v13, v12;
	v10 =	vadd.f32 $0.0e+00, v10  }
0x7c: {  	v26 =	vld.idx.msk [tilespmem:v4+s22+$0x0], $0xffff  }
0x7d: {  	v13 =	vld.idx.msk [tilespmem:v6+s22+$0x0], $0xffff;
	v10 =	vadd.f32 v12, v10;
	v12 =	vmul.f32 v15, v14  }
0x7e: {  	v57 =	vld.idx.msk [tilespmem:v3+s23+$0x0], $0xffff  }
0x7f: {  	v58 =	vld.idx.msk [tilespmem:v4+s24+$0x0], $0xffff;
	v10 =	vadd.f32 v12, v10;
	v12 =	vmul.f32 v17, v16  }
0x80: {  	v59 =	vld.idx.msk [tilespmem:v6+s24+$0x0], $0xffff  }
0x81: {  	v14 =	vld.idx.msk [tilespmem:v3+s22+$0x0], $0xffff;
	v10 =	vadd.f32 v12, v10;
	v12 =	vmul.f32 v19, v18  }
0x82: {  	v15 =	vld.idx.msk [tilespmem:v4+s23+$0x0], $0xffff  }
0x83: {  	v16 =	vld.idx.msk [tilespmem:v6+s23+$0x0], $0xffff;
	v10 =	vadd.f32 v12, v10;
	v12 =	vmul.f32 v21, v20  }
0x84: {  	v9 =	vmul.f32 v24, v9;
	v17 =	vld.idx.msk [tilespmem:v5+s23+$0x0], $0xffff  }
0x85: {  	v61 =	vld.idx.msk [tilespmem:v3+s24+$0x0], $0xffff;
	v11 =	vmul.f32 v11, v25;
	v10 =	vadd.f32 v12, v10;
	v12 =	vmul.f32 v23, v22  }
0x86: {  	v62 =	vld.idx.msk [tilespmem:v4+s25+$0x0], $0xffff;
	v13 =	vmul.f32 v13, v26;
	v9 =	vadd.f32 $0.0e+00, v9  }
0x87: {  	s9 =	sshll.u32 s8, $0xD;
	s10 =	simm.s32 $0x20;
	s6 =	simm.s32 $0x80;
	v63 =	vld.idx.msk [tilespmem:v6+s25+$0x0], $0xffff;
	v11 =	vadd.f32 $0.0e+00, v11;
	v10 =	vadd.f32 v12, v10;
	v12 =	vmul.f32 v14, v27  }
0x88: {  	s16 =	simm.s32 $0x0;
	s7 =	simm.s32 $0x40;
	s6 =	sand.u32 $0x7E00, s6;
	v8 =	vmul.f32 v8, v7;
	v7 =	vld.idx.msk [tilespmem:v5+s25+$0x0], $0xffff;
	v13 =	vadd.f32 v13, v9  }
0x89: {  	s7 =	sand.u32 $0x7E00, s7;
	s11 =	sand.u32 $0x70, s10;
	s6 =	sshrl.u32 s6, $0x2;
	v9 =	vld.idx.msk [tilespmem:v3+s25+$0x0], $0xffff;
	v14 =	vmul.f32 v16, v15;
	v11 =	vadd.f32 v12, v11;
	v12 =	vmul.f32 v57, v17  }
0x8a: {  	s12 =	simm.s32 $0x0;
	s7 =	sshrl.u32 s7, $0x2;
	s6 =	sor.u32 s11, s6;
	v16 =	vmul.f32 v61, v60;
	v10 =	vadd.f32 v8, v10;
	v8 =	vld.idx.msk [tilespmem:v4+s26+$0x0], $0xffff  }
0x8b: {  	s5 =	sand.u32 $0x3E00, s16;
	s16 =	simm.s32 $0x10;
	s15 =	simm.s32 $0x0;
	v13 =	vadd.f32 v14, v13;
	v14 =	vmul.f32 v59, v58;
	v12 =	vadd.f32 v12, v11;
	v11 =	vld.idx.msk [tilespmem:v6+s26+$0x0], $0xffff  }
0x8c: {  	s5 =	sshrl.u32 s5, $0x2;
	s19 =	sand.u32 $0x70, s16;
	s17 =	sand.u32 $0x70, s15;
	[tilespmem:s6+$0x15880] =	vst v10;
	v10 =	vld.idx.msk [tilespmem:v5+s26+$0x0], $0xffff  }
0x8d: {  	s16 =	sor.u32 s19, s7;
	s15 =	simm.s32 $0x140;
	s11 =	sor.u32 s17, s5;
	v15 =	vmul.f32 v63, v62;
	v14 =	vadd.f32 v14, v13;
	v13 =	vadd.f32 v16, v12;
	v12 =	vld.idx.msk [tilespmem:v3+s26+$0x0], $0xffff  }
.LBB2_7:
0x8e: {  	s5 =	sadd.s32 $0xFFFFFF80, s15;
	s7 =	sshra.s32 s15, $0x2;
	s6 =	sadd.s32 $0xFFFFFFC0, s15;
	v16 =	vld.idx.msk [tilespmem:v4+s28+$0x0], $0xffff  }
0x8f: {  	s12 =	sadd.s32 $0x3, s12;
	v7 =	vmul.f32 v9, v7;
	s5 =	sand.u32 $0x3E00, s5;
	s6 =	sand.u32 $0x7E00, s6;
	v17 =	vld [tilespmem:s7+$0x13880];
	v14 =	vadd.f32 v15, v14  }
0x90: {  	p1 =	slt.u32 s12, $0xFC;
	v9 =	vld [tilespmem:s7+$0x13860];
	s5 =	sshrl.u32 s5, $0x2;
	s6 =	sshrl.u32 s6, $0x2  }
0x91: {  	v8 =	vmul.f32 v11, v8;
	v7 =	vadd.f32 v7, v13;
	v15 =	vld [tilespmem:s7+$0x13870]  }
0x92: {  	v11 =	vld.idx.msk [tilespmem:v6+s28+$0x0], $0xffff  }
0x93: {  	v8 =	vadd.f32 v8, v14;
	v10 =	vmul.f32 v12, v10;
	v12 =	vld.idx.msk [tilespmem:v5+s28+$0x0], $0xffff  }
0x94: {  	v13 =	vshrl.u32 v17, $0xE;
	v14 =	vld.idx.msk [tilespmem:v3+s28+$0x0], $0xffff  }
0x95: {  	v17 =	vand.u32 $0x3FFF, v17;
	v18 =	vand.u32 $0x3FFF, v9;
	v19 =	vld.idx.msk [tilespmem:v4+s29+$0x0], $0xffff;
	v4 =	vshrl.u32 v9, $0xE  }
0x96: {  	v7 =	vadd.f32 v10, v7;
	v9 =	vshrl.u32 v15, $0xE;
	v15 =	vand.u32 $0x3FFF, v15;
	v20 =	vld.idx.msk [tilespmem:v6+s29+$0x0], $0xffff;
	v6 =	vmovc v18  }
0x97: {  	v10 =	vld.idx.msk [tilespmem:v5+s29+$0x0], $0xffff;
	v5 =	vmov v9  }
0x98: {  	v9 =	vmul.f32 v11, v16;
	v11 =	vld.idx.msk [tilespmem:v3+s29+$0x0], $0xffff;
	v3 =	vmov v15  }
0x99: {  	v15 =	vld.idx.msk [tilespmem:v13+s4+$0x0], $0xffff  }
0x9a: {  	v8 =	vadd.f32 v9, v8;
	v9 =	vmul.f32 v14, v12;
	v16 =	vld.idx.msk [tilespmem:v17+s4+$0x0], $0xffff  }
0x9b: {  	v12 =	vld.idx.msk [tilespmem:v13+s22+$0x0], $0xffff  }
0x9c: {  	v18 =	vmul.f32 v20, v19;
	v7 =	vadd.f32 v9, v7;
	v14 =	vld.idx.msk [tilespmem:v17+s22+$0x0], $0xffff  }
0x9d: {  	v9 =	vld.idx.msk [tilespmem:v13+s23+$0x0], $0xffff  }
0x9e: {  	v8 =	vadd.f32 v18, v8;
	v10 =	vmul.f32 v11, v10;
	v19 =	vld.idx.msk [tilespmem:v17+s23+$0x0], $0xffff  }
0x9f: {  	v11 =	vld.idx.msk [tilespmem:v13+s24+$0x0], $0xffff  }
0xa0: {  	v15 =	vmul.f32 v16, v15;
	v7 =	vadd.f32 v10, v7;
	v16 =	vld.idx.msk [tilespmem:v17+s24+$0x0], $0xffff;
	[tilespmem:s11+$0x15880] =	vst v8  }
0xa1: {  	v8 =	vld.idx.msk [tilespmem:v13+s25+$0x0], $0xffff  }
0xa2: {  	v10 =	vadd.f32 $0.0e+00, v15;
	v12 =	vmul.f32 v14, v12;
	v14 =	vld.idx.msk [tilespmem:v17+s25+$0x0], $0xffff;
	[tilespmem:s16+$0x15880] =	vst v7  }
0xa3: {  	v7 =	vld.idx.msk [tilespmem:v13+s26+$0x0], $0xffff  }
0xa4: {  	v10 =	vadd.f32 v12, v10;
	v9 =	vmul.f32 v19, v9;
	v12 =	vld.idx.msk [tilespmem:v17+s26+$0x0], $0xffff  }
0xa5: {  	v15 =	vld.idx.msk [tilespmem:v13+s28+$0x0], $0xffff  }
0xa6: {  	v9 =	vadd.f32 v9, v10;
	v10 =	vmul.f32 v16, v11;
	v11 =	vld.idx.msk [tilespmem:v17+s28+$0x0], $0xffff  }
0xa7: {  	v13 =	vld.idx.msk [tilespmem:v13+s29+$0x0], $0xffff  }
0xa8: {  	v9 =	vadd.f32 v10, v9;
	v8 =	vmul.f32 v14, v8;
	v10 =	vld.idx.msk [tilespmem:v17+s29+$0x0], $0xffff  }
0xa9: {  	v14 =	vld.idx.msk [tilespmem:v4+s4+$0x0], $0xffff  }
0xaa: {  	v8 =	vadd.f32 v8, v9;
	v7 =	vmul.f32 v12, v7;
	v16 =	vld.idx.msk [tilespmem:v6+s4+$0x0], $0xffff  }
0xab: {  	v9 =	vld.idx.msk [tilespmem:v5+s4+$0x0], $0xffff  }
0xac: {  	v7 =	vadd.f32 v7, v8;
	v8 =	vmul.f32 v11, v15;
	v12 =	vld.idx.msk [tilespmem:v3+s4+$0x0], $0xffff  }
0xad: {  	v11 =	vld.idx.msk [tilespmem:v4+s22+$0x0], $0xffff  }
0xae: {  	v7 =	vadd.f32 v8, v7;
	v8 =	vmul.f32 v10, v13;
	v15 =	vld.idx.msk [tilespmem:v6+s22+$0x0], $0xffff  }
0xaf: {  	s10 =	sadd.s32 $0x30, s10;
	s7 =	sand.u32 $0x7E00, s15;
	v10 =	vld.idx.msk [tilespmem:v5+s22+$0x0], $0xffff  }
0xb0: {  	s7 =	sshrl.u32 s7, $0x2;
	s11 =	sadd.s32 $0xFFFFFFE0, s10;
	s16 =	sand.u32 $0x70, s10;
	v13 =	vmul.f32 v16, v14;
	v7 =	vadd.f32 v8, v7;
	v14 =	vld.idx.msk [tilespmem:v3+s22+$0x0], $0xffff  }
0xb1: {  	s19 =	sadd.s32 $0xFFFFFFF0, s10;
	s11 =	sand.u32 $0x70, s11;
	s7 =	sor.u32 s16, s7;
	v8 =	vld.idx.msk [tilespmem:v4+s23+$0x0], $0xffff  }
0xb2: {  	s11 =	sor.u32 s11, s5;
	s5 =	sand.u32 $0x70, s19;
	v13 =	vadd.f32 $0.0e+00, v13;
	v9 =	vmul.f32 v12, v9;
	v16 =	vld.idx.msk [tilespmem:v6+s23+$0x0], $0xffff;
	[tilespmem:s7+$0x15880] =	vst v7  }
0xb3: {  	s16 =	sor.u32 s5, s6;
	v7 =	vld.idx.msk [tilespmem:v5+s23+$0x0], $0xffff  }
0xb4: {  	v11 =	vmul.f32 v15, v11;
	v9 =	vadd.f32 $0.0e+00, v9;
	v12 =	vld.idx.msk [tilespmem:v3+s23+$0x0], $0xffff  }
0xb5: {  	v15 =	vld.idx.msk [tilespmem:v4+s24+$0x0], $0xffff  }
0xb6: {  	v11 =	vadd.f32 v11, v13;
	v10 =	vmul.f32 v14, v10;
	v13 =	vld.idx.msk [tilespmem:v6+s24+$0x0], $0xffff  }
0xb7: {  	v17 =	vld.idx.msk [tilespmem:v5+s24+$0x0], $0xffff  }
0xb8: {  	v8 =	vmul.f32 v16, v8;
	v9 =	vadd.f32 v10, v9;
	v10 =	vld.idx.msk [tilespmem:v3+s24+$0x0], $0xffff  }
0xb9: {  	v16 =	vld.idx.msk [tilespmem:v4+s25+$0x0], $0xffff  }
0xba: {  	v11 =	vadd.f32 v8, v11;
	v8 =	vmul.f32 v12, v7;
	v18 =	vld.idx.msk [tilespmem:v6+s25+$0x0], $0xffff  }
0xbb: {  	v7 =	vld.idx.msk [tilespmem:v5+s25+$0x0], $0xffff  }
.Ltmp4:
0xbc: {  	v12 =	vmul.f32 v13, v15;
	v13 =	vadd.f32 v8, v9;
	v9 =	vld.idx.msk [tilespmem:v3+s25+$0x0], $0xffff;
	(pc) =	sbr.rel @p1 .LBB2_7-.Ltmp4, $4  }
0xbd: {  	v8 =	vld.idx.msk [tilespmem:v4+s26+$0x0], $0xffff  }
0xbe: {  	v14 =	vadd.f32 v12, v11;
	v12 =	vmul.f32 v10, v17;
	v11 =	vld.idx.msk [tilespmem:v6+s26+$0x0], $0xffff  }
0xbf: {  	v10 =	vld.idx.msk [tilespmem:v5+s26+$0x0], $0xffff  }
0xc0: {  	s15 =	sadd.s32 $0xC0, s15;
	v15 =	vmul.f32 v18, v16;
	v13 =	vadd.f32 v12, v13;
	v12 =	vld.idx.msk [tilespmem:v3+s26+$0x0], $0xffff  }
0xc1: {  	_ =	sdelay $0x3  }
0xc2: {  	v16 =	vld.idx.msk [tilespmem:v4+s28+$0x0], $0xffff  }
0xc3: {  	v17 =	vld.idx.msk [tilespmem:v6+s28+$0x0], $0xffff  }
0xc4: {  	v18 =	vld.idx.msk [tilespmem:v5+s28+$0x0], $0xffff  }
0xc5: {  	v19 =	vld.idx.msk [tilespmem:v3+s28+$0x0], $0xffff  }
0xc6: {  	v38 =	vld.idx.msk [tilespmem:v4+s29+$0x0], $0xffff  }
0xc7: {  	v39 =	vld.idx.msk [tilespmem:v6+s29+$0x0], $0xffff  }
0xc8: {  	v7 =	vmul.f32 v9, v7;
	v40 =	vld.idx.msk [tilespmem:v5+s29+$0x0], $0xffff  }
0xc9: {  	v3 =	vld.idx.msk [tilespmem:v3+s29+$0x0], $0xffff;
	v41 =	vadd.f32 v15, v14;
	v8 =	vmul.f32 v11, v8  }
0xca: {  	v7 =	vadd.f32 v7, v13;
	v10 =	vmul.f32 v12, v10  }
0xcb: {  	v8 =	vadd.f32 v8, v41;
	v42 =	vmul.f32 v17, v16  }
0xcc: {  	v43 =	vmul.f32 v19, v18;
	v7 =	vadd.f32 v10, v7  }
0xcd: {  	v4 =	vmul.f32 v39, v38;
	v8 =	vadd.f32 v42, v8  }
0xce: {  	v3 =	vmul.f32 v3, v40;
	v44 =	vadd.f32 v43, v7  }
0xcf: {  	v4 =	vadd.f32 v4, v8  }
0xd0: {  	v3 =	vadd.f32 v3, v44  }
0xd1: {  	[tilespmem:s11+$0x15880] =	vst v4  }
0xd2: {  	[tilespmem:s16+$0x15880] =	vst v3  }
0xd3: {  	v3 =	vld [tilespmem:$0x14870];
	_ =	sdelay $0x4  }
0xd4: {  	v45 =	vshrl.u32 v3, $0xE  }
0xd5: {  	v3 =	vand.u32 $0x3FFF, v3;
	_ =	sdelay $0x3  }
0xd6: {  	v46 =	vld.idx.msk [tilespmem:v45+s4+$0x0], $0xffff  }
0xd7: {  	v47 =	vld.idx.msk [tilespmem:v3+s4+$0x0], $0xffff  }
0xd8: {  	v48 =	vld.idx.msk [tilespmem:v45+s22+$0x0], $0xffff  }
0xd9: {  	v49 =	vld.idx.msk [tilespmem:v3+s22+$0x0], $0xffff  }
0xda: {  	v50 =	vld.idx.msk [tilespmem:v45+s23+$0x0], $0xffff  }
0xdb: {  	v51 =	vld.idx.msk [tilespmem:v3+s23+$0x0], $0xffff  }
0xdc: {  	v52 =	vld.idx.msk [tilespmem:v45+s24+$0x0], $0xffff;
	v5 =	vmul.f32 v47, v46  }
0xdd: {  	v53 =	vld.idx.msk [tilespmem:v3+s24+$0x0], $0xffff  }
0xde: {  	v54 =	vld.idx.msk [tilespmem:v45+s25+$0x0], $0xffff;
	v7 =	vmul.f32 v49, v48;
	v5 =	vadd.f32 $0.0e+00, v5  }
0xdf: {  	v55 =	vld.idx.msk [tilespmem:v3+s25+$0x0], $0xffff  }
0xe0: {  	v57 =	vld.idx.msk [tilespmem:v45+s26+$0x0], $0xffff;
	v56 =	vmul.f32 v51, v50;
	v5 =	vadd.f32 v7, v5  }
0xe1: {  	v58 =	vld.idx.msk [tilespmem:v3+s26+$0x0], $0xffff  }
0xe2: {  	v59 =	vld.idx.msk [tilespmem:v45+s28+$0x0], $0xffff;
	v6 =	vmul.f32 v53, v52;
	v5 =	vadd.f32 v56, v5  }
0xe3: {  	v60 =	vld.idx.msk [tilespmem:v3+s28+$0x0], $0xffff  }
0xe4: {  	v4 =	vld.idx.msk [tilespmem:v45+s29+$0x0], $0xffff;
	v61 =	vmul.f32 v55, v54;
	v5 =	vadd.f32 v6, v5  }
0xe5: {  	v3 =	vld.idx.msk [tilespmem:v3+s29+$0x0], $0xffff  }
0xe6: {  	v62 =	vmul.f32 v58, v57;
	v5 =	vadd.f32 v61, v5;
	_ =	sdelay $0x1  }
0xe7: {  	v63 =	vmul.f32 v60, v59;
	v5 =	vadd.f32 v62, v5;
	_ =	sdelay $0x1  }
0xe8: {  	p1 =	sne.s32 s8, $0x27;
	v3 =	vmul.f32 v3, v4;
	v5 =	vadd.f32 v63, v5  }
.Ltmp5:
0xe9: {  	_ = 	snop;
	(pc) =	sbr.rel @p1 .LBB2_10-.Ltmp5, $4  }
0xea: {  	s5 =	sshll.u32 s8, $0x8;
	v3 =	vadd.f32 v3, v5  }
0xeb: {  	s10 =	sand.u32 $0x3FFFFF00, s5  }
0xec: {  	s5 =	sadd.s32 $0x17880, s10;
	[tilespmem:$0x16870] =	vst v3  }
0xed: {  	[spmem:s3] =	stream.indirect.scatter.add.f32 [tilespmem:s18], [sflag:$0x3], $0x80, s5, s30, $0xb8;
	[tilespmem:$0x1F080] =	vst v63  }
.Ltmp6:
0xee: {  	(pc) =	sbr.rel .LBB2_11-.Ltmp6, $4  }
0xef: {  	_ = 	snop  }
0xf0: {  	_ =	swait.ge [sflag:s31], $0x1000  }
0xf1: {  	[sflag:s31] =	ssyncset.done $0x0  }
0xf2: {  	[sflag:s31] =	ssyncadd.s32 $0xFFFFF000  }
.LBB2_10:
0xf3: {  	s5 =	sadd.s32 s9, s13  }
0xf4: {  	s5 =	sshrl.u32 s5, $0x3  }
.Ltmp7:
0xf5: {  	s6 =	simm.s32 $0x13880;
	s5 =	sadd.s32 s1, s5;
	(pc) =	sbr.rel @p0 .LBB2_12-.Ltmp7, $4  }
0xf6: {  	[tilespmem:s6], [sflag:$0x1] =	stream.linear.gather [hbm4b:s5+s4], $0x1000, $0x38;
	[tilespmem:$0x1F080] =	vst v63  }
0xf7: {  	_ =	swait.ge [sflag:s31], $0x1000  }
0xf8: {  	[sflag:s31] =	ssyncset.done $0x0  }
0xf9: {  	[sflag:s31] =	ssyncadd.s32 $0xFFFFF000  }
.LBB2_11:
0xfa: {  	_ =	swait.ge [sflag:s0], $0x1000  }
0xfb: {  	[sflag:s0] =	ssyncset.done $0x0  }
0xfc: {  	[sflag:s0] =	ssyncadd.s32 $0xFFFFF000  }
.LBB2_12:
0xfd: {  	s5 =	simm.s32 $0x20  }
0xfe: {  	v3 =	vld [tilespmem:s5+$0x14880];
	_ =	sdelay $0x4  }
0xff: {  	v7 =	vshrl.u32 v3, $0xE  }
0x100: {  	v8 =	vand.u32 $0x3FFF, v3;
	_ =	sdelay $0x1  }
0x101: {  	v9 =	vld [tilespmem:s5+$0x14870]  }
0x102: {  	v3 =	vld [tilespmem:s5+$0x14860]  }
0x103: {  	v10 =	vld.idx.msk [tilespmem:v7+s4+$0x0], $0xffff  }
0x104: {  	v11 =	vld.idx.msk [tilespmem:v8+s4+$0x0], $0xffff  }
0x105: {  	v12 =	vld.idx.msk [tilespmem:v7+s22+$0x0], $0xffff  }
0x106: {  	v13 =	vld.idx.msk [tilespmem:v8+s22+$0x0], $0xffff  }
0x107: {  	v14 =	vld.idx.msk [tilespmem:v7+s23+$0x0], $0xffff  }
0x108: {  	v15 =	vld.idx.msk [tilespmem:v8+s23+$0x0], $0xffff  }
0x109: {  	v16 =	vld.idx.msk [tilespmem:v7+s24+$0x0], $0xffff  }
0x10a: {  	v17 =	vld.idx.msk [tilespmem:v8+s24+$0x0], $0xffff  }
0x10b: {  	v18 =	vld.idx.msk [tilespmem:v7+s25+$0x0], $0xffff  }
0x10c: {  	v19 =	vld.idx.msk [tilespmem:v8+s25+$0x0], $0xffff  }
0x10d: {  	v20 =	vld.idx.msk [tilespmem:v7+s26+$0x0], $0xffff  }
0x10e: {  	v5 =	vshrl.u32 v9, $0xE;
	v21 =	vld.idx.msk [tilespmem:v8+s26+$0x0], $0xffff  }
0x10f: {  	v22 =	vld.idx.msk [tilespmem:v7+s28+$0x0], $0xffff  }
0x110: {  	v23 =	vld.idx.msk [tilespmem:v8+s28+$0x0], $0xffff  }
0x111: {  	v4 =	vshrl.u32 v3, $0xE;
	v7 =	vld.idx.msk [tilespmem:v7+s29+$0x0], $0xffff  }
0x112: {  	v6 =	vand.u32 $0x3FFF, v3;
	v8 =	vld.idx.msk [tilespmem:v8+s29+$0x0], $0xffff  }
0x113: {  	v3 =	vand.u32 $0x3FFF, v9;
	v25 =	vld.idx.msk [tilespmem:v5+s4+$0x0], $0xffff  }
0x114: {  	v27 =	vld.idx.msk [tilespmem:v5+s22+$0x0], $0xffff  }
0x115: {  	v60 =	vld.idx.msk [tilespmem:v5+s24+$0x0], $0xffff  }
0x116: {  	v9 =	vld.idx.msk [tilespmem:v4+s4+$0x0], $0xffff;
	v10 =	vmul.f32 v11, v10  }
0x117: {  	v24 =	vld.idx.msk [tilespmem:v6+s4+$0x0], $0xffff  }
0x118: {  	v11 =	vld.idx.msk [tilespmem:v3+s4+$0x0], $0xffff;
	v12 =	vmul.f32 v13, v12;
	v10 =	vadd.f32 $0.0e+00, v10  }
0x119: {  	v26 =	vld.idx.msk [tilespmem:v4+s22+$0x0], $0xffff  }
0x11a: {  	v13 =	vld.idx.msk [tilespmem:v6+s22+$0x0], $0xffff;
	v10 =	vadd.f32 v12, v10;
	v12 =	vmul.f32 v15, v14  }
0x11b: {  	v57 =	vld.idx.msk [tilespmem:v3+s23+$0x0], $0xffff  }
0x11c: {  	v58 =	vld.idx.msk [tilespmem:v4+s24+$0x0], $0xffff;
	v10 =	vadd.f32 v12, v10;
	v12 =	vmul.f32 v17, v16  }
0x11d: {  	v59 =	vld.idx.msk [tilespmem:v6+s24+$0x0], $0xffff  }
0x11e: {  	v14 =	vld.idx.msk [tilespmem:v3+s22+$0x0], $0xffff;
	v10 =	vadd.f32 v12, v10;
	v12 =	vmul.f32 v19, v18  }
0x11f: {  	v15 =	vld.idx.msk [tilespmem:v4+s23+$0x0], $0xffff  }
0x120: {  	v16 =	vld.idx.msk [tilespmem:v6+s23+$0x0], $0xffff;
	v10 =	vadd.f32 v12, v10;
	v12 =	vmul.f32 v21, v20  }
0x121: {  	v9 =	vmul.f32 v24, v9;
	v17 =	vld.idx.msk [tilespmem:v5+s23+$0x0], $0xffff  }
0x122: {  	v61 =	vld.idx.msk [tilespmem:v3+s24+$0x0], $0xffff;
	v11 =	vmul.f32 v11, v25;
	v10 =	vadd.f32 v12, v10;
	v12 =	vmul.f32 v23, v22  }
0x123: {  	v62 =	vld.idx.msk [tilespmem:v4+s25+$0x0], $0xffff;
	v13 =	vmul.f32 v13, v26;
	v9 =	vadd.f32 $0.0e+00, v9  }
0x124: {  	s12 =	simm.s32 $0x20;
	s16 =	simm.s32 $0x0;
	v63 =	vld.idx.msk [tilespmem:v6+s25+$0x0], $0xffff;
	v11 =	vadd.f32 $0.0e+00, v11;
	v10 =	vadd.f32 v12, v10;
	v12 =	vmul.f32 v14, v27  }
0x125: {  	s6 =	simm.s32 $0x80;
	s7 =	simm.s32 $0x40;
	s15 =	simm.s32 $0x0;
	v8 =	vmul.f32 v8, v7;
	v7 =	vld.idx.msk [tilespmem:v5+s25+$0x0], $0xffff;
	v13 =	vadd.f32 v13, v9  }
0x126: {  	s19 =	simm.s32 $0x10;
	s7 =	sand.u32 $0x7E00, s7;
	s6 =	sand.u32 $0x7E00, s6;
	v9 =	vld.idx.msk [tilespmem:v3+s25+$0x0], $0xffff;
	v14 =	vmul.f32 v16, v15;
	v11 =	vadd.f32 v12, v11;
	v12 =	vmul.f32 v57, v17  }
0x127: {  	s11 =	sand.u32 $0x70, s12;
	s19 =	sand.u32 $0x70, s19;
	s6 =	sshrl.u32 s6, $0x2;
	v16 =	vmul.f32 v61, v60;
	v10 =	vadd.f32 v8, v10;
	v8 =	vld.idx.msk [tilespmem:v4+s26+$0x0], $0xffff  }
0x128: {  	s6 =	sor.u32 s11, s6;
	s5 =	sand.u32 $0x3E00, s16;
	s16 =	simm.s32 $0x0;
	v13 =	vadd.f32 v14, v13;
	v14 =	vmul.f32 v59, v58;
	v12 =	vadd.f32 v12, v11;
	v11 =	vld.idx.msk [tilespmem:v6+s26+$0x0], $0xffff  }
0x129: {  	s7 =	sshrl.u32 s7, $0x2;
	s5 =	sshrl.u32 s5, $0x2;
	s17 =	sand.u32 $0x70, s16;
	[tilespmem:s6+$0x16880] =	vst v10;
	v10 =	vld.idx.msk [tilespmem:v5+s26+$0x0], $0xffff  }
0x12a: {  	s11 =	sor.u32 s19, s7;
	s16 =	simm.s32 $0x140;
	v15 =	vmul.f32 v63, v62;
	s6 =	sor.u32 s17, s5;
	v14 =	vadd.f32 v14, v13;
	v13 =	vadd.f32 v16, v12;
	v12 =	vld.idx.msk [tilespmem:v3+s26+$0x0], $0xffff  }
.LBB2_13:
0x12b: {  	s5 =	sadd.s32 $0xFFFFFF80, s16;
	s19 =	sshra.s32 s16, $0x2;
	s7 =	sadd.s32 $0xFFFFFFC0, s16;
	v16 =	vld.idx.msk [tilespmem:v4+s28+$0x0], $0xffff  }
0x12c: {  	s15 =	sadd.s32 $0x3, s15;
	v7 =	vmul.f32 v9, v7;
	s5 =	sand.u32 $0x3E00, s5;
	s17 =	sand.u32 $0x7E00, s7;
	v17 =	vld [tilespmem:s19+$0x14880];
	v14 =	vadd.f32 v15, v14  }
0x12d: {  	p0 =	slt.u32 s15, $0xFC;
	v9 =	vld [tilespmem:s19+$0x14860];
	s7 =	sshrl.u32 s5, $0x2;
	s5 =	sshrl.u32 s17, $0x2  }
0x12e: {  	v8 =	vmul.f32 v11, v8;
	v7 =	vadd.f32 v7, v13;
	v15 =	vld [tilespmem:s19+$0x14870]  }
0x12f: {  	v11 =	vld.idx.msk [tilespmem:v6+s28+$0x0], $0xffff  }
0x130: {  	v8 =	vadd.f32 v8, v14;
	v10 =	vmul.f32 v12, v10;
	v12 =	vld.idx.msk [tilespmem:v5+s28+$0x0], $0xffff  }
0x131: {  	v13 =	vshrl.u32 v17, $0xE;
	v14 =	vld.idx.msk [tilespmem:v3+s28+$0x0], $0xffff  }
0x132: {  	v17 =	vand.u32 $0x3FFF, v17;
	v18 =	vand.u32 $0x3FFF, v9;
	v19 =	vld.idx.msk [tilespmem:v4+s29+$0x0], $0xffff;
	v4 =	vshrl.u32 v9, $0xE  }
0x133: {  	v7 =	vadd.f32 v10, v7;
	v9 =	vshrl.u32 v15, $0xE;
	v15 =	vand.u32 $0x3FFF, v15;
	v20 =	vld.idx.msk [tilespmem:v6+s29+$0x0], $0xffff;
	v6 =	vmovc v18  }
0x134: {  	v10 =	vld.idx.msk [tilespmem:v5+s29+$0x0], $0xffff;
	v5 =	vmov v9  }
0x135: {  	v9 =	vmul.f32 v11, v16;
	v11 =	vld.idx.msk [tilespmem:v3+s29+$0x0], $0xffff;
	v3 =	vmov v15  }
0x136: {  	v15 =	vld.idx.msk [tilespmem:v13+s4+$0x0], $0xffff  }
0x137: {  	v8 =	vadd.f32 v9, v8;
	v9 =	vmul.f32 v14, v12;
	v16 =	vld.idx.msk [tilespmem:v17+s4+$0x0], $0xffff  }
0x138: {  	v12 =	vld.idx.msk [tilespmem:v13+s22+$0x0], $0xffff  }
0x139: {  	v18 =	vmul.f32 v20, v19;
	v7 =	vadd.f32 v9, v7;
	v14 =	vld.idx.msk [tilespmem:v17+s22+$0x0], $0xffff  }
0x13a: {  	v9 =	vld.idx.msk [tilespmem:v13+s23+$0x0], $0xffff  }
0x13b: {  	v8 =	vadd.f32 v18, v8;
	v10 =	vmul.f32 v11, v10;
	v19 =	vld.idx.msk [tilespmem:v17+s23+$0x0], $0xffff  }
0x13c: {  	v11 =	vld.idx.msk [tilespmem:v13+s24+$0x0], $0xffff  }
0x13d: {  	v15 =	vmul.f32 v16, v15;
	v7 =	vadd.f32 v10, v7;
	v16 =	vld.idx.msk [tilespmem:v17+s24+$0x0], $0xffff;
	[tilespmem:s6+$0x16880] =	vst v8  }
0x13e: {  	v8 =	vld.idx.msk [tilespmem:v13+s25+$0x0], $0xffff  }
0x13f: {  	v10 =	vadd.f32 $0.0e+00, v15;
	v12 =	vmul.f32 v14, v12;
	v14 =	vld.idx.msk [tilespmem:v17+s25+$0x0], $0xffff;
	[tilespmem:s11+$0x16880] =	vst v7  }
0x140: {  	v7 =	vld.idx.msk [tilespmem:v13+s26+$0x0], $0xffff  }
0x141: {  	v10 =	vadd.f32 v12, v10;
	v9 =	vmul.f32 v19, v9;
	v12 =	vld.idx.msk [tilespmem:v17+s26+$0x0], $0xffff  }
0x142: {  	v15 =	vld.idx.msk [tilespmem:v13+s28+$0x0], $0xffff  }
0x143: {  	v9 =	vadd.f32 v9, v10;
	v10 =	vmul.f32 v16, v11;
	v11 =	vld.idx.msk [tilespmem:v17+s28+$0x0], $0xffff  }
0x144: {  	v13 =	vld.idx.msk [tilespmem:v13+s29+$0x0], $0xffff  }
0x145: {  	v9 =	vadd.f32 v10, v9;
	v8 =	vmul.f32 v14, v8;
	v10 =	vld.idx.msk [tilespmem:v17+s29+$0x0], $0xffff  }
0x146: {  	v14 =	vld.idx.msk [tilespmem:v4+s4+$0x0], $0xffff  }
0x147: {  	v8 =	vadd.f32 v8, v9;
	v7 =	vmul.f32 v12, v7;
	v16 =	vld.idx.msk [tilespmem:v6+s4+$0x0], $0xffff  }
0x148: {  	v9 =	vld.idx.msk [tilespmem:v5+s4+$0x0], $0xffff  }
0x149: {  	v7 =	vadd.f32 v7, v8;
	v8 =	vmul.f32 v11, v15;
	v12 =	vld.idx.msk [tilespmem:v3+s4+$0x0], $0xffff  }
0x14a: {  	v11 =	vld.idx.msk [tilespmem:v4+s22+$0x0], $0xffff  }
0x14b: {  	v7 =	vadd.f32 v8, v7;
	v8 =	vmul.f32 v10, v13;
	v15 =	vld.idx.msk [tilespmem:v6+s22+$0x0], $0xffff  }
0x14c: {  	s12 =	sadd.s32 $0x30, s12;
	s6 =	sand.u32 $0x7E00, s16;
	v10 =	vld.idx.msk [tilespmem:v5+s22+$0x0], $0xffff  }
0x14d: {  	s17 =	sand.u32 $0x70, s12;
	s6 =	sshrl.u32 s6, $0x2;
	s11 =	sadd.s32 $0xFFFFFFE0, s12;
	v13 =	vmul.f32 v16, v14;
	v7 =	vadd.f32 v8, v7;
	v14 =	vld.idx.msk [tilespmem:v3+s22+$0x0], $0xffff  }
0x14e: {  	s19 =	sadd.s32 $0xFFFFFFF0, s12;
	s17 =	sor.u32 s17, s6;
	s11 =	sand.u32 $0x70, s11;
	v8 =	vld.idx.msk [tilespmem:v4+s23+$0x0], $0xffff  }
0x14f: {  	s6 =	sor.u32 s11, s7;
	s7 =	sand.u32 $0x70, s19;
	v13 =	vadd.f32 $0.0e+00, v13;
	v9 =	vmul.f32 v12, v9;
	v16 =	vld.idx.msk [tilespmem:v6+s23+$0x0], $0xffff;
	[tilespmem:s17+$0x16880] =	vst v7  }
0x150: {  	s11 =	sor.u32 s7, s5;
	v7 =	vld.idx.msk [tilespmem:v5+s23+$0x0], $0xffff  }
0x151: {  	v11 =	vmul.f32 v15, v11;
	v9 =	vadd.f32 $0.0e+00, v9;
	v12 =	vld.idx.msk [tilespmem:v3+s23+$0x0], $0xffff  }
0x152: {  	v15 =	vld.idx.msk [tilespmem:v4+s24+$0x0], $0xffff  }
0x153: {  	v11 =	vadd.f32 v11, v13;
	v10 =	vmul.f32 v14, v10;
	v13 =	vld.idx.msk [tilespmem:v6+s24+$0x0], $0xffff  }
0x154: {  	v17 =	vld.idx.msk [tilespmem:v5+s24+$0x0], $0xffff  }
0x155: {  	v8 =	vmul.f32 v16, v8;
	v9 =	vadd.f32 v10, v9;
	v10 =	vld.idx.msk [tilespmem:v3+s24+$0x0], $0xffff  }
0x156: {  	v16 =	vld.idx.msk [tilespmem:v4+s25+$0x0], $0xffff  }
0x157: {  	v11 =	vadd.f32 v8, v11;
	v8 =	vmul.f32 v12, v7;
	v18 =	vld.idx.msk [tilespmem:v6+s25+$0x0], $0xffff  }
0x158: {  	v7 =	vld.idx.msk [tilespmem:v5+s25+$0x0], $0xffff  }
.Ltmp8:
0x159: {  	v12 =	vmul.f32 v13, v15;
	v13 =	vadd.f32 v8, v9;
	v9 =	vld.idx.msk [tilespmem:v3+s25+$0x0], $0xffff;
	(pc) =	sbr.rel @p0 .LBB2_13-.Ltmp8, $4  }
0x15a: {  	v8 =	vld.idx.msk [tilespmem:v4+s26+$0x0], $0xffff  }
0x15b: {  	v14 =	vadd.f32 v12, v11;
	v12 =	vmul.f32 v10, v17;
	v11 =	vld.idx.msk [tilespmem:v6+s26+$0x0], $0xffff  }
0x15c: {  	v10 =	vld.idx.msk [tilespmem:v5+s26+$0x0], $0xffff  }
0x15d: {  	s16 =	sadd.s32 $0xC0, s16;
	v15 =	vmul.f32 v18, v16;
	v13 =	vadd.f32 v12, v13;
	v12 =	vld.idx.msk [tilespmem:v3+s26+$0x0], $0xffff  }
0x15e: {  	_ =	sdelay $0x3  }
0x15f: {  	v16 =	vld.idx.msk [tilespmem:v4+s28+$0x0], $0xffff  }
0x160: {  	v17 =	vld.idx.msk [tilespmem:v6+s28+$0x0], $0xffff  }
0x161: {  	v18 =	vld.idx.msk [tilespmem:v5+s28+$0x0], $0xffff  }
0x162: {  	v19 =	vld.idx.msk [tilespmem:v3+s28+$0x0], $0xffff  }
0x163: {  	v38 =	vld.idx.msk [tilespmem:v4+s29+$0x0], $0xffff  }
0x164: {  	v39 =	vld.idx.msk [tilespmem:v6+s29+$0x0], $0xffff  }
0x165: {  	v7 =	vmul.f32 v9, v7;
	v40 =	vld.idx.msk [tilespmem:v5+s29+$0x0], $0xffff  }
0x166: {  	v3 =	vld.idx.msk [tilespmem:v3+s29+$0x0], $0xffff;
	v41 =	vadd.f32 v15, v14;
	v8 =	vmul.f32 v11, v8  }
0x167: {  	v7 =	vadd.f32 v7, v13;
	v10 =	vmul.f32 v12, v10  }
0x168: {  	v8 =	vadd.f32 v8, v41;
	v42 =	vmul.f32 v17, v16  }
0x169: {  	v43 =	vmul.f32 v19, v18;
	v7 =	vadd.f32 v10, v7  }
0x16a: {  	v4 =	vmul.f32 v39, v38;
	v8 =	vadd.f32 v42, v8  }
0x16b: {  	v3 =	vmul.f32 v3, v40;
	v44 =	vadd.f32 v43, v7  }
0x16c: {  	v4 =	vadd.f32 v4, v8  }
0x16d: {  	v3 =	vadd.f32 v3, v44  }
0x16e: {  	[tilespmem:s6+$0x16880] =	vst v4  }
0x16f: {  	[tilespmem:s11+$0x16880] =	vst v3  }
0x170: {  	v3 =	vld [tilespmem:$0x15870];
	_ =	sdelay $0x4  }
0x171: {  	v45 =	vshrl.u32 v3, $0xE  }
0x172: {  	v3 =	vand.u32 $0x3FFF, v3;
	_ =	sdelay $0x3  }
0x173: {  	v46 =	vld.idx.msk [tilespmem:v45+s4+$0x0], $0xffff  }
0x174: {  	v47 =	vld.idx.msk [tilespmem:v3+s4+$0x0], $0xffff  }
0x175: {  	v48 =	vld.idx.msk [tilespmem:v45+s22+$0x0], $0xffff  }
0x176: {  	v49 =	vld.idx.msk [tilespmem:v3+s22+$0x0], $0xffff  }
0x177: {  	v50 =	vld.idx.msk [tilespmem:v45+s23+$0x0], $0xffff  }
0x178: {  	v51 =	vld.idx.msk [tilespmem:v3+s23+$0x0], $0xffff  }
0x179: {  	v52 =	vld.idx.msk [tilespmem:v45+s24+$0x0], $0xffff;
	v5 =	vmul.f32 v47, v46  }
0x17a: {  	v53 =	vld.idx.msk [tilespmem:v3+s24+$0x0], $0xffff  }
0x17b: {  	v54 =	vld.idx.msk [tilespmem:v45+s25+$0x0], $0xffff;
	v7 =	vmul.f32 v49, v48;
	v5 =	vadd.f32 $0.0e+00, v5  }
0x17c: {  	v55 =	vld.idx.msk [tilespmem:v3+s25+$0x0], $0xffff  }
0x17d: {  	v57 =	vld.idx.msk [tilespmem:v45+s26+$0x0], $0xffff;
	v56 =	vmul.f32 v51, v50;
	v5 =	vadd.f32 v7, v5  }
0x17e: {  	v58 =	vld.idx.msk [tilespmem:v3+s26+$0x0], $0xffff  }
0x17f: {  	v59 =	vld.idx.msk [tilespmem:v45+s28+$0x0], $0xffff;
	v6 =	vmul.f32 v53, v52;
	v5 =	vadd.f32 v56, v5  }
0x180: {  	v60 =	vld.idx.msk [tilespmem:v3+s28+$0x0], $0xffff  }
0x181: {  	v4 =	vld.idx.msk [tilespmem:v45+s29+$0x0], $0xffff;
	v61 =	vmul.f32 v55, v54;
	v5 =	vadd.f32 v6, v5  }
0x182: {  	v3 =	vld.idx.msk [tilespmem:v3+s29+$0x0], $0xffff  }
0x183: {  	v62 =	vmul.f32 v58, v57;
	v5 =	vadd.f32 v61, v5;
	_ =	sdelay $0x1  }
0x184: {  	v63 =	vmul.f32 v60, v59;
	v5 =	vadd.f32 v62, v5;
	_ =	sdelay $0x1  }
0x185: {  	p0 =	seq.s32 s8, $0x27;
	v3 =	vmul.f32 v3, v4;
	v5 =	vadd.f32 v63, v5  }
.Ltmp9:
0x186: {  	_ = 	snop;
	(pc) =	sbr.rel @p0 .LBB2_16-.Ltmp9, $3  }
0x187: {  	v3 =	vadd.f32 v3, v5;
	_ =	sdelay $0x1  }
0x188: {  	s5 =	sadd.s32 $0x17900, s10;
	[tilespmem:$0x17870] =	vst v3  }
0x189: {  	[spmem:s3] =	stream.indirect.scatter.add.f32 [tilespmem:s2], [sflag:$0x4], $0x80, s5, s30, $0xb8;
	[tilespmem:$0x1F080] =	vst v63  }
.Ltmp10:
0x18a: {  	(pc) =	sbr.rel .LBB2_6-.Ltmp10, $4  }
0x18b: {  	s5 =	sadd.s32 s9, s14  }
0x18c: {  	s5 =	sshrl.u32 s5, $0x3  }
0x18d: {  	s8 =	sadd.s32 $0x1, s8;
	s5 =	sadd.s32 s1, s5  }
0x18e: {  	[tilespmem:s20], [sflag:$0x2] =	stream.linear.gather [hbm4b:s5+s4], $0x1000, $0x38;
	[tilespmem:$0x1F080] =	vst v63  }
.LBB2_17:
0x18f: {  	_ =	sfence.sel $0x180000  }
0x190: {  	[bflag:$0x0] =	sbarrier.arrive $0xFFFF  }
0x191: {  	_ =	strace $0x90000047  }
0x192: {  	s0 =	stileid.u32;
	[bflag:$0x2] =	sbarrier.arrive $0xFFFF  }
0x193: {  	p0 =	sne.s32 s0, $0x0;
	s0 =	rddreg [dreg:$0x4]  }
0x194: {  	s0 =	sadd.s32 @!p0 $0x100000, s0  }
0x195: {  	[sflag:s0] =	ssyncadd.tile.s32 @!p0 $0x1;
	_ =	shalt  }
.Lfunc_end2:
_tile_overlayer_lowered:
.L_overlay_start_2:
0x196: {  	(tag) =	ssettag $0x2  }
0x197: {  	s0 =	rddreg [dreg:$0x0];
	s2 =	stileid.u32  }
0x198: {  	s1 =	rddreg [dreg:$0x1];
	p0 =	sne.s32 s2, $0x0  }
0x199: {  	s3 =	rddreg [dreg:$0x2];
	[bflag:$0x3] =	sbarrier.arrive $0xFFFF;
	s2 =	simm.s32 @!p0 $0x1C05  }
0x19a: {  	[timem:s3], [sflag:s2] =	dma.local @!p0 [hbm:s0], s1  }
0x19b: {  	s0 =	simm.s32 @!p0 $0x5  }
0x19c: {  	_ =	swait.ge @!p0 [sflag:s0], s1  }
0x19d: {  	s1 =	ssub.s32 @!p0 $0x0, s1;
	[sflag:s0] =	ssyncset.done @!p0 $0x0  }
0x19e: {  	[sflag:s0] =	ssyncadd.s32 @!p0 s1  }
0x19f: {  	[bflag:$0x3] =	sbarrier.arrive $0xFFFF  }
0x1a0: {  	_ =	shalt  }

</sc_bundles>
